<compile_context>
chip_gen: v7x
topology: tpu7x:2x2x1
jax: 0.10.2.dev20260603
libtpu: 0.0.44.dev20260713+nightly
codegen_flags: <defaults>
</compile_context>

<pallas_src>
import functools

import jax
import jax.numpy as jnp
from jax import lax
from jax.experimental import pallas as pl
from jax.experimental.pallas import tpu as pltpu
from jax.experimental.pallas import tpu_sc as plsc

_NUM_EMB = 1024
_NUM_HEADS = 4
_EMB_DIM = 768
_HEAD_DIM = _EMB_DIM // _NUM_HEADS
_COMMIT = 0.25

_BN = 1024
_NW = 32


_KA = 256


def _tc_body(x_ref, w_ref, codes_ref, codesoff_ref, lsum_ref,
             waug_ref, xaug_ref):
    @pl.when(pl.program_id(0) == 0)
    def _init():
        lane = lax.broadcasted_iota(jnp.int32, (_HEAD_DIM, _KA - _HEAD_DIM), 1)
        nh = jnp.where(lane == 0, jnp.float32(-0.5), 0.0).astype(jnp.bfloat16)
        dn = (((1,), (0,)), ((), ()))
        for h in range(_NUM_HEADS):
            w = w_ref[h]
            w2 = w * w
            a1 = w2.astype(jnp.bfloat16)
            r1 = w2 - a1.astype(jnp.float32)
            a2 = r1.astype(jnp.bfloat16)
            a3 = (r1 - a2.astype(jnp.float32)).astype(jnp.bfloat16)
            acc = lax.dot_general(a1, nh, dn,
                                  preferred_element_type=jnp.float32)
            acc += lax.dot_general(a2, nh, dn,
                                   preferred_element_type=jnp.float32)
            acc += lax.dot_general(a3, nh, dn,
                                   preferred_element_type=jnp.float32)
            b1 = acc.astype(jnp.bfloat16).astype(jnp.float32)
            r = acc - b1
            b2 = r.astype(jnp.bfloat16).astype(jnp.float32)
            b3 = (r - b2).astype(jnp.bfloat16).astype(jnp.float32)
            bias = b1 + jnp.roll(b2, 1, axis=1) + jnp.roll(b3, 2, axis=1)
            waug_ref[h, :, :_HEAD_DIM] = w
            waug_ref[h, :, _HEAD_DIM:] = bias
        lane2 = lax.broadcasted_iota(jnp.int32, (_BN, _KA - _HEAD_DIM), 1)
        xaug_ref[:, _HEAD_DIM:] = jnp.where(lane2 < 3, jnp.float32(1.0), 0.0)
        lsum_ref[0, :] = jnp.zeros((128,), jnp.float32)

    xall = x_ref[...]
    x2s = lax.dot_general(
        jnp.ones((8, _BN), jnp.float32), xall * xall,
        (((1,), (0,)), ((), ())), preferred_element_type=jnp.float32)
    part = jnp.sum(x2s[0, :])
    for h in range(_NUM_HEADS):
        xaug_ref[:, :_HEAD_DIM] = x_ref[:, h * _HEAD_DIM:(h + 1) * _HEAD_DIM]
        eT = lax.dot_general(
            waug_ref[h], xaug_ref[...], (((1,), (1,)), ((), ())),
            preferred_element_type=jnp.float32)
        m = jnp.max(eT, axis=0)
        idx = jnp.argmax(eT, axis=0).astype(jnp.int32)
        part += -2.0 * jnp.sum(m)
        codes_ref[h, 0, :] = idx
        codesoff_ref[h, 0, :] = idx + h * _NUM_EMB

    lsum_ref[0, :] += jnp.full((128,), part, jnp.float32)


def _tc_distance_argmax(x2, emb, row0, nrows):
    b0 = row0 // _BN
    nb = nrows // _BN
    return pl.pallas_call(
        _tc_body,
        grid=(nb,),
        in_specs=[
            pl.BlockSpec((_BN, _EMB_DIM), lambda i: (b0 + i, 0)),
            pl.BlockSpec((_NUM_HEADS, _NUM_EMB, _HEAD_DIM), lambda i: (0, 0, 0)),
        ],
        out_specs=[
            pl.BlockSpec((_NUM_HEADS, 1, _BN), lambda i: (0, 0, i)),
            pl.BlockSpec((_NUM_HEADS, 1, _BN), lambda i: (0, 0, i)),
            pl.BlockSpec((1, 128), lambda i: (0, 0)),
        ],
        out_shape=[
            jax.ShapeDtypeStruct((_NUM_HEADS, 1, nrows), jnp.int32),
            jax.ShapeDtypeStruct((_NUM_HEADS, 1, nrows), jnp.int32),
            jax.ShapeDtypeStruct((1, 128), jnp.float32),
        ],
        scratch_shapes=[
            pltpu.VMEM((_NUM_HEADS, _NUM_EMB, _KA), jnp.float32),
            pltpu.VMEM((_BN, _KA), jnp.float32),
        ],
    )(x2, emb)


def _sc_gather(table, idx3, n):
    hh, kw, b_per_w = idx3.shape
    d = table.shape[1]
    ch = next(c for c in (128, 96, 64, 32) if b_per_w % c == 0)
    nc_chunks = b_per_w // ch
    mesh = plsc.VectorSubcoreMesh(core_axis_name="c", subcore_axis_name="s")

    @functools.partial(
        pl.kernel,
        mesh=mesh,
        out_type=jax.ShapeDtypeStruct((n, 1, hh * d), jnp.float32),
        compiler_params=pltpu.CompilerParams(use_tc_tiling_on_sc=False),
        scratch_types=[
            pltpu.VMEM_SHARED(table.shape, jnp.float32),
            pltpu.VMEM((b_per_w,), jnp.int32),
            pltpu.VMEM((ch, d), jnp.float32),
            pltpu.VMEM((ch, d), jnp.float32),
            pltpu.VMEM((ch, d), jnp.float32),
            pltpu.SemaphoreType.DMA,
            pltpu.SemaphoreType.DMA,
            pltpu.SemaphoreType.DMA,
            pltpu.SemaphoreType.DMA,
            pltpu.SemaphoreType.DMA,
            pltpu.SemaphoreType.DMA,
        ],
    )
    def k(table_hbm, idx_hbm, out_hbm, tbl_s, idx_v,
          b0, b1, b2, g0, g1, g2, w0, w1, w2):
        cid = lax.axis_index("c")
        sid = lax.axis_index("s")
        wid = sid * 2 + cid
        h = wid // (32 // hh)
        kk = wid % (32 // hh)
        bufs = (b0, b1, b2)
        gsems = (g0, g1, g2)
        wsems = (w0, w1, w2)

        vslice = table.shape[0] // 16
        pltpu.sync_copy(table_hbm.at[pl.ds(sid * vslice, vslice)],
                        tbl_s.at[pl.ds(sid * vslice, vslice)])
        plsc.subcore_barrier()
        pltpu.sync_copy(idx_hbm.at[h, kk], idx_v)

        def gather(j):
            b = j % 3
            return pltpu.async_copy(
                tbl_s.at[idx_v.at[pl.ds(j * ch, ch)]], bufs[b], gsems[b])

        def write(j):
            b = j % 3
            return pltpu.async_copy(
                bufs[b],
                out_hbm.at[pl.ds(kk * b_per_w + j * ch, ch), 0,
                           pl.ds(h * d, d)],
                wsems[b])

        ghs = {0: gather(0), 1: gather(1)}
        whs = {}
        for j in range(nc_chunks):
            ghs[j].wait()
            whs[j] = write(j)
            nxt = j + 2
            if nxt < nc_chunks:
                if nxt - 3 >= 0:
                    whs[nxt - 3].wait()
                ghs[nxt] = gather(nxt)
        for j in range(max(0, nc_chunks - 3), nc_chunks):
            whs[j].wait()

    return k(table, idx3)


_G = 1


def kernel(inputs, emb):
    n = inputs.shape[0]
    x2 = inputs.reshape(n, _EMB_DIM)
    table = emb.reshape(_NUM_HEADS * _NUM_EMB, _HEAD_DIM)
    kw = _NW // _NUM_HEADS
    ng = n // _G

    q_parts, codes_parts, lsums = [], [], []
    for g in range(_G):
        codes4, codesoff4, lsum = _tc_distance_argmax(x2, emb, g * ng, ng)
        idx3 = codesoff4.reshape(_NUM_HEADS, kw, ng // kw)
        q = _sc_gather(table, idx3, ng)
        q_parts.append(q)
        codes_parts.append(codes4.reshape(_NUM_HEADS, ng).T)
        lsums.append(lsum[0, 0])

    if _G == 1:
        quantized_st, vq_codes = q_parts[0], codes_parts[0]
    else:
        quantized_st = jnp.concatenate(q_parts, axis=0)
        vq_codes = jnp.concatenate(codes_parts, axis=0)
    loss = _COMMIT * sum(lsums) / (n * _EMB_DIM)
    return quantized_st, loss, vq_codes

# --- scband reference (transcript-rebuilt; emitter-appended) ---
"""Pipeline reference for scband-vector-quantizer-multi-head-11725260718117 (READ-ONLY COPY).

The authoritative reference and input builder live on the scoring server;
editing this copy changes nothing except your own understanding.
"""

import jax, jax.numpy as jnp
import numpy as np

NUM_EMB = 1024
NUM_HEADS = 4
EMB_DIM = 768
HEAD_DIM = EMB_DIM // NUM_HEADS
COMMIT = 0.25
N = 18432


def setup_inputs(seed: int = 0) -> dict:
    key = jax.random.key(seed)
    k1, k2 = jax.random.split(key)
    inputs = jax.random.normal(k1, (N, 1, EMB_DIM), dtype=jnp.float32)
    # per-head codebooks, matching nn.Embedding(num_embeddings, embedding_dim//num_heads).weight.normal_()
    emb = jax.random.normal(k2, (NUM_HEADS, NUM_EMB, HEAD_DIM), dtype=jnp.float32)
    return {"inputs": inputs, "emb": emb}


def _forward(inputs, emb):
    x = inputs[:, 0, :]
    quant_heads = []
    codes = []
    for h in range(NUM_HEADS):
        xi = x[:, h * HEAD_DIM:(h + 1) * HEAD_DIM]
        w = emb[h]
        # negative squared euclidean distances: -(||x||^2 + ||w||^2 - 2 x.w^T)
        distances = -1.0 * (
            jnp.sum(xi ** 2, axis=1, keepdims=True)
            + jnp.sum(w ** 2, axis=1)
            - 2.0 * jnp.matmul(xi, w.T)
        )
        # use_straight_through=True -> logits detached
        logits = jax.lax.stop_gradient(distances)
        probs = jax.nn.softmax(logits, axis=-1)
        idx = jnp.argmax(probs, axis=-1)
        codes.append(idx)
        q = jnp.take(w, idx, axis=0)
        quant_heads.append(q)
    quantized = jnp.concatenate(quant_heads, axis=1)
    e_latent_loss = jnp.mean((jax.lax.stop_gradient(quantized) - x) ** 2)
    loss = COMMIT * e_latent_loss
    # straight-through estimator
    quantized_st = x + jax.lax.stop_gradient(quantized - x)
    quantized_st = quantized_st.reshape(inputs.shape[0], 1, EMB_DIM)
    vq_codes = jnp.stack(codes, axis=1)
    return quantized_st, loss, vq_codes


def reference(inputs, emb):
    return _forward(inputs, emb)

if __name__ == "__main__":
    import jax
    _d = setup_inputs()
    print(jax.jit(kernel)(*tuple(_d.values())))

</pallas_src>

<mosaic_0001>
#map = affine_map<(d0, d1) -> (0, 0)>
#map1 = affine_map<(d0, d1) -> (0, 0, 0)>
module attributes {stable_mosaic.version = 14 : i64} {
  func.func @k(%arg0: i32, %arg1: i32, %arg2: memref<4096x192xf32, #tpu.memory_space<hbm>>, %arg3: memref<4x8x2304xi32, #tpu.memory_space<hbm>>, %arg4: memref<18432x1x768xf32, #tpu.memory_space<hbm>>, %arg5: memref<4096x192xf32, #tpu.memory_space<vmem_shared>>, %arg6: memref<2304xi32, #tpu.memory_space<vmem>>, %arg7: memref<128x192xf32, #tpu.memory_space<vmem>>, %arg8: memref<128x192xf32, #tpu.memory_space<vmem>>, %arg9: memref<128x192xf32, #tpu.memory_space<vmem>>, %arg10: memref<!tpu.dma_semaphore, #tpu.memory_space<semaphore_mem>>, %arg11: memref<!tpu.dma_semaphore, #tpu.memory_space<semaphore_mem>>, %arg12: memref<!tpu.dma_semaphore, #tpu.memory_space<semaphore_mem>>, %arg13: memref<!tpu.dma_semaphore, #tpu.memory_space<semaphore_mem>>, %arg14: memref<!tpu.dma_semaphore, #tpu.memory_space<semaphore_mem>>, %arg15: memref<!tpu.dma_semaphore, #tpu.memory_space<semaphore_mem>>) attributes {dimension_semantics = [#tpu.dimension_semantics<core_parallel>, #tpu.dimension_semantics<subcore_parallel>], iteration_bounds = array<i64: 2, 16>, scalar_prefetch = 0 : i64, scratch_operands = 11 : i64, tpu.core_type = #tpu.core_type<sc_vector_subcore>, window_params = [{transform_indices = #map}, {transform_indices = #map1}, {transform_indices = #map1}]} {
    %mul3A = arith.constant 2 : i32
    %mul3A_0 = arith.muli %arg1, %mul3A : i32
    %add3A = arith.addi %mul3A_0, %arg0 : i32
    %jit3A = arith.constant 8 : i32
    %div3A = arith.divsi %add3A, %jit3A : i32
    %sign3A = arith.constant 0 : i32
    %sign3A_1 = arith.cmpi sgt, %add3A, %sign3A : i32
    %sign3A_2 = arith.extui %sign3A_1 : i1 to i32
    %sign3A_3 = arith.constant 0 : i32
    %sign3A_4 = arith.cmpi slt, %add3A, %sign3A_3 : i32
    %sign3A_5 = arith.extui %sign3A_4 : i1 to i32
    %sign3A_6 = arith.subi %sign3A_2, %sign3A_5 : i32
    %sign3A_7 = arith.constant 0 : i32
    %sign3A_8 = arith.cmpi sgt, %jit3A, %sign3A_7 : i32
    %sign3A_9 = arith.extui %sign3A_8 : i1 to i32
    %sign3A_10 = arith.constant 0 : i32
    %sign3A_11 = arith.cmpi slt, %jit3A, %sign3A_10 : i32
    %sign3A_12 = arith.extui %sign3A_11 : i1 to i32
    %sign3A_13 = arith.subi %sign3A_9, %sign3A_12 : i32
    %ne3A = arith.cmpi ne, %sign3A_6, %sign3A_13 : i32
    %rem3A = arith.remsi %add3A, %jit3A : i32
    %ne3A_14 = arith.constant 0 : i32
    %ne3A_15 = arith.cmpi ne, %rem3A, %ne3A_14 : i32
    %and3A = arith.andi %ne3A, %ne3A_15 : i1
    %sub3A = arith.constant 1 : i32
    %sub3A_16 = arith.subi %div3A, %sub3A : i32
    %select_n3A = arith.select %and3A, %sub3A_16, %div3A : i32
    %jit3A_17 = arith.constant 8 : i32
    %eq3A = arith.constant 0 : i32
    %eq3A_18 = arith.cmpi eq, %jit3A_17, %eq3A : i32
    %jit3A_19 = arith.constant 1 : i32
    %select_n3A_20 = arith.select %eq3A_18, %jit3A_19, %jit3A_17 : i32
    %rem3A_21 = arith.remsi %add3A, %select_n3A_20 : i32
    %ne3A_22 = arith.constant 0 : i32
    %ne3A_23 = arith.cmpi ne, %rem3A_21, %ne3A_22 : i32
    %lt3A = arith.constant 0 : i32
    %lt3A_24 = arith.cmpi slt, %rem3A_21, %lt3A : i32
    %lt3A_25 = arith.constant 0 : i32
    %lt3A_26 = arith.cmpi slt, %select_n3A_20, %lt3A_25 : i32
    %ne3A_27 = arith.xori %lt3A_24, %lt3A_26 : i1
    %and3A_28 = arith.andi %ne3A_27, %ne3A_23 : i1
    %add3A_29 = arith.addi %rem3A_21, %select_n3A_20 : i32
    %select_n3A_30 = arith.select %and3A_28, %add3A_29, %rem3A_21 : i32
    %mul3A_31 = arith.constant 256 : i32
    %mul3A_32 = arith.muli %arg1, %mul3A_31 : i32
    %mul3A_33 = arith.constant 256 : i32
    %mul3A_34 = arith.muli %arg1, %mul3A_33 : i32
    "tpu.region"() ({
      %run_scoped3A = tpu.sem_alloc : memref<!tpu.dma_semaphore, #tpu.memory_space<semaphore_mem>>
      %dma_start3A_501 = arith.constant 0 : i32
      %dma_start3A_502 = tpu.memref_slice %arg5[%mul3A_34, %dma_start3A_501] : memref<4096x192xf32, #tpu.memory_space<vmem_shared>> -> memref<256x192xf32, #tpu.memory_space<vmem_shared>>
      %dma_start3A_503 = arith.constant 0 : i32
      %dma_start3A_504 = tpu.memref_slice %arg2[%mul3A_32, %dma_start3A_503] : memref<4096x192xf32, #tpu.memory_space<hbm>> -> memref<256x192xf32, #tpu.memory_space<hbm>>
      tpu.enqueue_dma source(%dma_start3A_504 : memref<256x192xf32, #tpu.memory_space<hbm>>) target(%dma_start3A_502 : memref<256x192xf32, #tpu.memory_space<vmem_shared>>) target_semaphore(%run_scoped3A : memref<!tpu.dma_semaphore, #tpu.memory_space<semaphore_mem>>)
      %dma_wait3A_505 = arith.constant 0 : i32
      %dma_wait3A_506 = tpu.memref_slice %arg5[%mul3A_34, %dma_wait3A_505] : memref<4096x192xf32, #tpu.memory_space<vmem_shared>> -> memref<256x192xf32, #tpu.memory_space<vmem_shared>>
      %dma_wait3A_507 = arith.constant 0 : i32
      %dma_wait3A_508 = tpu.memref_slice %arg2[%mul3A_32, %dma_wait3A_507] : memref<4096x192xf32, #tpu.memory_space<hbm>> -> memref<256x192xf32, #tpu.memory_space<hbm>>
      tpu.wait_dma2 semaphore(%run_scoped3A : memref<!tpu.dma_semaphore, #tpu.memory_space<semaphore_mem>>) src(%dma_wait3A_508 : memref<256x192xf32, #tpu.memory_space<hbm>>) dst(%dma_wait3A_506 : memref<256x192xf32, #tpu.memory_space<vmem_shared>>)
      tpu.yield
    }) : () -> ()
    %barrier3A = arith.constant 0 : index
    tpu.barrier barrier_id(%barrier3A)
    "tpu.region"() ({
      %run_scoped3A = tpu.sem_alloc : memref<!tpu.dma_semaphore, #tpu.memory_space<semaphore_mem>>
      %dma_start3A_501 = arith.constant 0 : i32
      %dma_start3A_502 = tpu.memref_slice %arg3[%select_n3A, %select_n3A_30, %dma_start3A_501] : memref<4x8x2304xi32, #tpu.memory_space<hbm>> -> memref<1x1x2304xi32, #tpu.memory_space<hbm>>
      %dma_start3A_503 = tpu.memref_squeeze %dma_start3A_502 : memref<1x1x2304xi32, #tpu.memory_space<hbm>> -> memref<2304xi32, #tpu.memory_space<hbm>>
      %dma_start3A_504 = arith.constant 0 : i32
      %dma_start3A_505 = tpu.memref_slice %arg3[%select_n3A, %select_n3A_30, %dma_start3A_504] : memref<4x8x2304xi32, #tpu.memory_space<hbm>> -> memref<1x1x2304xi32, #tpu.memory_space<hbm>>
      %dma_start3A_506 = tpu.memref_squeeze %dma_start3A_505 : memref<1x1x2304xi32, #tpu.memory_space<hbm>> -> memref<2304xi32, #tpu.memory_space<hbm>>
      tpu.enqueue_dma source(%dma_start3A_506 : memref<2304xi32, #tpu.memory_space<hbm>>) target(%arg6 : memref<2304xi32, #tpu.memory_space<vmem>>) target_semaphore(%run_scoped3A : memref<!tpu.dma_semaphore, #tpu.memory_space<semaphore_mem>>)
      %dma_wait3A_507 = arith.constant 0 : i32
      %dma_wait3A_508 = tpu.memref_slice %arg3[%select_n3A, %select_n3A_30, %dma_wait3A_507] : memref<4x8x2304xi32, #tpu.memory_space<hbm>> -> memref<1x1x2304xi32, #tpu.memory_space<hbm>>
      %dma_wait3A_509 = tpu.memref_squeeze %dma_wait3A_508 : memref<1x1x2304xi32, #tpu.memory_space<hbm>> -> memref<2304xi32, #tpu.memory_space<hbm>>
      %dma_wait3A_510 = arith.constant 0 : i32
      %dma_wait3A_511 = tpu.memref_slice %arg3[%select_n3A, %select_n3A_30, %dma_wait3A_510] : memref<4x8x2304xi32, #tpu.memory_space<hbm>> -> memref<1x1x2304xi32, #tpu.memory_space<hbm>>
      %dma_wait3A_512 = tpu.memref_squeeze %dma_wait3A_511 : memref<1x1x2304xi32, #tpu.memory_space<hbm>> -> memref<2304xi32, #tpu.memory_space<hbm>>
      tpu.wait_dma2 semaphore(%run_scoped3A : memref<!tpu.dma_semaphore, #tpu.memory_space<semaphore_mem>>) src(%dma_wait3A_512 : memref<2304xi32, #tpu.memory_space<hbm>>) dst(%arg6 : memref<2304xi32, #tpu.memory_space<vmem>>)
      tpu.yield
    }) : () -> ()
    %dma_start3A = arith.constant 0 : i32
    %dma_start3A_35 = tpu.memref_slice %arg6[%dma_start3A] : memref<2304xi32, #tpu.memory_space<vmem>> -> memref<128xi32, #tpu.memory_space<vmem>>
    %dma_start3A_36 = arith.constant 0 : i32
    %dma_start3A_37 = arith.constant 0 : i32
    %dma_start3A_38 = tpu.memref_slice %arg5[%dma_start3A_36, %dma_start3A_37] : memref<4096x192xf32, #tpu.memory_space<vmem_shared>> -> memref<4096x192xf32, #tpu.memory_space<vmem_shared>>
    tpu.enqueue_indirect_dma source(%dma_start3A_38 : memref<4096x192xf32, #tpu.memory_space<vmem_shared>>) target(%arg7 : memref<128x192xf32, #tpu.memory_space<vmem>>) offsets(%dma_start3A_35 : memref<128xi32, #tpu.memory_space<vmem>>) semaphore(%arg10 : memref<!tpu.dma_semaphore, #tpu.memory_space<semaphore_mem>>)
    %dma_start3A_39 = arith.constant 128 : i32
    %dma_start3A_40 = tpu.memref_slice %arg6[%dma_start3A_39] : memref<2304xi32, #tpu.memory_space<vmem>> -> memref<128xi32, #tpu.memory_space<vmem>>
    %dma_start3A_41 = arith.constant 0 : i32
    %dma_start3A_42 = arith.constant 0 : i32
    %dma_start3A_43 = tpu.memref_slice %arg5[%dma_start3A_41, %dma_start3A_42] : memref<4096x192xf32, #tpu.memory_space<vmem_shared>> -> memref<4096x192xf32, #tpu.memory_space<vmem_shared>>
    tpu.enqueue_indirect_dma source(%dma_start3A_43 : memref<4096x192xf32, #tpu.memory_space<vmem_shared>>) target(%arg8 : memref<128x192xf32, #tpu.memory_space<vmem>>) offsets(%dma_start3A_40 : memref<128xi32, #tpu.memory_space<vmem>>) semaphore(%arg11 : memref<!tpu.dma_semaphore, #tpu.memory_space<semaphore_mem>>)
    %dma_wait3A = arith.constant 0 : i32
    %dma_wait3A_44 = tpu.memref_slice %arg6[%dma_wait3A] : memref<2304xi32, #tpu.memory_space<vmem>> -> memref<128xi32, #tpu.memory_space<vmem>>
    %dma_wait3A_45 = arith.constant 0 : i32
    %dma_wait3A_46 = arith.constant 0 : i32
    %dma_wait3A_47 = tpu.memref_slice %arg5[%dma_wait3A_45, %dma_wait3A_46] : memref<4096x192xf32, #tpu.memory_space<vmem_shared>> -> memref<4096x192xf32, #tpu.memory_space<vmem_shared>>
    tpu.wait_indirect_dma semaphore(%arg10 : memref<!tpu.dma_semaphore, #tpu.memory_space<semaphore_mem>>) src(%dma_wait3A_47 : memref<4096x192xf32, #tpu.memory_space<vmem_shared>>) dst(%arg7 : memref<128x192xf32, #tpu.memory_space<vmem>>)
    %mul3A_48 = arith.constant 2304 : i32
    %mul3A_49 = arith.muli %select_n3A_30, %mul3A_48 : i32
    %add3A_50 = arith.constant 0 : i32
    %add3A_51 = arith.addi %mul3A_49, %add3A_50 : i32
    %mul3A_52 = arith.constant 192 : i32
    %mul3A_53 = arith.muli %select_n3A, %mul3A_52 : i32
    %dma_start3A_54 = arith.constant 0 : i32
    %dma_start3A_55 = tpu.memref_slice %arg4[%add3A_51, %dma_start3A_54, %mul3A_53] : memref<18432x1x768xf32, #tpu.memory_space<hbm>> -> memref<128x1x192xf32, #tpu.memory_space<hbm>>
    %dma_start3A_56 = tpu.memref_squeeze %dma_start3A_55 : memref<128x1x192xf32, #tpu.memory_space<hbm>> -> memref<128x192xf32, #tpu.memory_space<hbm>>
    %dma_start3A_57 = tpu.memref_slice %arg4[%add3A_51, %dma_start3A_54, %mul3A_53] : memref<18432x1x768xf32, #tpu.memory_space<hbm>> -> memref<128x1x192xf32, #tpu.memory_space<hbm>>
    %dma_start3A_58 = tpu.memref_squeeze %dma_start3A_57 : memref<128x1x192xf32, #tpu.memory_space<hbm>> -> memref<128x192xf32, #tpu.memory_space<hbm>>
    tpu.enqueue_dma source(%arg7 : memref<128x192xf32, #tpu.memory_space<vmem>>) target(%dma_start3A_58 : memref<128x192xf32, #tpu.memory_space<hbm>>) target_semaphore(%arg13 : memref<!tpu.dma_semaphore, #tpu.memory_space<semaphore_mem>>)
    %dma_start3A_59 = arith.constant 256 : i32
    %dma_start3A_60 = tpu.memref_slice %arg6[%dma_start3A_59] : memref<2304xi32, #tpu.memory_space<vmem>> -> memref<128xi32, #tpu.memory_space<vmem>>
    %dma_start3A_61 = arith.constant 0 : i32
    %dma_start3A_62 = arith.constant 0 : i32
    %dma_start3A_63 = tpu.memref_slice %arg5[%dma_start3A_61, %dma_start3A_62] : memref<4096x192xf32, #tpu.memory_space<vmem_shared>> -> memref<4096x192xf32, #tpu.memory_space<vmem_shared>>
    tpu.enqueue_indirect_dma source(%dma_start3A_63 : memref<4096x192xf32, #tpu.memory_space<vmem_shared>>) target(%arg9 : memref<128x192xf32, #tpu.memory_space<vmem>>) offsets(%dma_start3A_60 : memref<128xi32, #tpu.memory_space<vmem>>) semaphore(%arg12 : memref<!tpu.dma_semaphore, #tpu.memory_space<semaphore_mem>>)
    %dma_wait3A_64 = arith.constant 128 : i32
    %dma_wait3A_65 = tpu.memref_slice %arg6[%dma_wait3A_64] : memref<2304xi32, #tpu.memory_space<vmem>> -> memref<128xi32, #tpu.memory_space<vmem>>
    %dma_wait3A_66 = arith.constant 0 : i32
    %dma_wait3A_67 = arith.constant 0 : i32
    %dma_wait3A_68 = tpu.memref_slice %arg5[%dma_wait3A_66, %dma_wait3A_67] : memref<4096x192xf32, #tpu.memory_space<vmem_shared>> -> memref<4096x192xf32, #tpu.memory_space<vmem_shared>>
    tpu.wait_indirect_dma semaphore(%arg11 : memref<!tpu.dma_semaphore, #tpu.memory_space<semaphore_mem>>) src(%dma_wait3A_68 : memref<4096x192xf32, #tpu.memory_space<vmem_shared>>) dst(%arg8 : memref<128x192xf32, #tpu.memory_space<vmem>>)
    %mul3A_69 = arith.constant 2304 : i32
    %mul3A_70 = arith.muli %select_n3A_30, %mul3A_69 : i32
    %add3A_71 = arith.constant 128 : i32
    %add3A_72 = arith.addi %mul3A_70, %add3A_71 : i32
    %mul3A_73 = arith.constant 192 : i32
    %mul3A_74 = arith.muli %select_n3A, %mul3A_73 : i32
    %dma_start3A_75 = arith.constant 0 : i32
    %dma_start3A_76 = tpu.memref_slice %arg4[%add3A_72, %dma_start3A_75, %mul3A_74] : memref<18432x1x768xf32, #tpu.memory_space<hbm>> -> memref<128x1x192xf32, #tpu.memory_space<hbm>>
    %dma_start3A_77 = tpu.memref_squeeze %dma_start3A_76 : memref<128x1x192xf32, #tpu.memory_space<hbm>> -> memref<128x192xf32, #tpu.memory_space<hbm>>
    %dma_start3A_78 = tpu.memref_slice %arg4[%add3A_72, %dma_start3A_75, %mul3A_74] : memref<18432x1x768xf32, #tpu.memory_space<hbm>> -> memref<128x1x192xf32, #tpu.memory_space<hbm>>
    %dma_start3A_79 = tpu.memref_squeeze %dma_start3A_78 : memref<128x1x192xf32, #tpu.memory_space<hbm>> -> memref<128x192xf32, #tpu.memory_space<hbm>>
    tpu.enqueue_dma source(%arg8 : memref<128x192xf32, #tpu.memory_space<vmem>>) target(%dma_start3A_79 : memref<128x192xf32, #tpu.memory_space<hbm>>) target_semaphore(%arg14 : memref<!tpu.dma_semaphore, #tpu.memory_space<semaphore_mem>>)
    %dma_wait3A_80 = arith.constant 0 : i32
    %dma_wait3A_81 = tpu.memref_slice %arg4[%add3A_51, %dma_wait3A_80, %mul3A_53] : memref<18432x1x768xf32, #tpu.memory_space<hbm>> -> memref<128x1x192xf32, #tpu.memory_space<hbm>>
    %dma_wait3A_82 = tpu.memref_squeeze %dma_wait3A_81 : memref<128x1x192xf32, #tpu.memory_space<hbm>> -> memref<128x192xf32, #tpu.memory_space<hbm>>
    %dma_wait3A_83 = tpu.memref_slice %arg4[%add3A_51, %dma_wait3A_80, %mul3A_53] : memref<18432x1x768xf32, #tpu.memory_space<hbm>> -> memref<128x1x192xf32, #tpu.memory_space<hbm>>
    %dma_wait3A_84 = tpu.memref_squeeze %dma_wait3A_83 : memref<128x1x192xf32, #tpu.memory_space<hbm>> -> memref<128x192xf32, #tpu.memory_space<hbm>>
    tpu.wait_dma2 semaphore(%arg13 : memref<!tpu.dma_semaphore, #tpu.memory_space<semaphore_mem>>) src(%arg7 : memref<128x192xf32, #tpu.memory_space<vmem>>) dst(%dma_wait3A_84 : memref<128x192xf32, #tpu.memory_space<hbm>>)
    %dma_start3A_85 = arith.constant 384 : i32
    %dma_start3A_86 = tpu.memref_slice %arg6[%dma_start3A_85] : memref<2304xi32, #tpu.memory_space<vmem>> -> memref<128xi32, #tpu.memory_space<vmem>>
    %dma_start3A_87 = arith.constant 0 : i32
    %dma_start3A_88 = arith.constant 0 : i32
    %dma_start3A_89 = tpu.memref_slice %arg5[%dma_start3A_87, %dma_start3A_88] : memref<4096x192xf32, #tpu.memory_space<vmem_shared>> -> memref<4096x192xf32, #tpu.memory_space<vmem_shared>>
    tpu.enqueue_indirect_dma source(%dma_start3A_89 : memref<4096x192xf32, #tpu.memory_space<vmem_shared>>) target(%arg7 : memref<128x192xf32, #tpu.memory_space<vmem>>) offsets(%dma_start3A_86 : memref<128xi32, #tpu.memory_space<vmem>>) semaphore(%arg10 : memref<!tpu.dma_semaphore, #tpu.memory_space<semaphore_mem>>)
    %dma_wait3A_90 = arith.constant 256 : i32
    %dma_wait3A_91 = tpu.memref_slice %arg6[%dma_wait3A_90] : memref<2304xi32, #tpu.memory_space<vmem>> -> memref<128xi32, #tpu.memory_space<vmem>>
    %dma_wait3A_92 = arith.constant 0 : i32
    %dma_wait3A_93 = arith.constant 0 : i32
    %dma_wait3A_94 = tpu.memref_slice %arg5[%dma_wait3A_92, %dma_wait3A_93] : memref<4096x192xf32, #tpu.memory_space<vmem_shared>> -> memref<4096x192xf32, #tpu.memory_space<vmem_shared>>
    tpu.wait_indirect_dma semaphore(%arg12 : memref<!tpu.dma_semaphore, #tpu.memory_space<semaphore_mem>>) src(%dma_wait3A_94 : memref<4096x192xf32, #tpu.memory_space<vmem_shared>>) dst(%arg9 : memref<128x192xf32, #tpu.memory_space<vmem>>)
    %mul3A_95 = arith.constant 2304 : i32
    %mul3A_96 = arith.muli %select_n3A_30, %mul3A_95 : i32
    %add3A_97 = arith.constant 256 : i32
    %add3A_98 = arith.addi %mul3A_96, %add3A_97 : i32
    %mul3A_99 = arith.constant 192 : i32
    %mul3A_100 = arith.muli %select_n3A, %mul3A_99 : i32
    %dma_start3A_101 = arith.constant 0 : i32
    %dma_start3A_102 = tpu.memref_slice %arg4[%add3A_98, %dma_start3A_101, %mul3A_100] : memref<18432x1x768xf32, #tpu.memory_space<hbm>> -> memref<128x1x192xf32, #tpu.memory_space<hbm>>
    %dma_start3A_103 = tpu.memref_squeeze %dma_start3A_102 : memref<128x1x192xf32, #tpu.memory_space<hbm>> -> memref<128x192xf32, #tpu.memory_space<hbm>>
    %dma_start3A_104 = tpu.memref_slice %arg4[%add3A_98, %dma_start3A_101, %mul3A_100] : memref<18432x1x768xf32, #tpu.memory_space<hbm>> -> memref<128x1x192xf32, #tpu.memory_space<hbm>>
    %dma_start3A_105 = tpu.memref_squeeze %dma_start3A_104 : memref<128x1x192xf32, #tpu.memory_space<hbm>> -> memref<128x192xf32, #tpu.memory_space<hbm>>
    tpu.enqueue_dma source(%arg9 : memref<128x192xf32, #tpu.memory_space<vmem>>) target(%dma_start3A_105 : memref<128x192xf32, #tpu.memory_space<hbm>>) target_semaphore(%arg15 : memref<!tpu.dma_semaphore, #tpu.memory_space<semaphore_mem>>)
    %dma_wait3A_106 = arith.constant 0 : i32
    %dma_wait3A_107 = tpu.memref_slice %arg4[%add3A_72, %dma_wait3A_106, %mul3A_74] : memref<18432x1x768xf32, #tpu.memory_space<hbm>> -> memref<128x1x192xf32, #tpu.memory_space<hbm>>
    %dma_wait3A_108 = tpu.memref_squeeze %dma_wait3A_107 : memref<128x1x192xf32, #tpu.memory_space<hbm>> -> memref<128x192xf32, #tpu.memory_space<hbm>>
    %dma_wait3A_109 = tpu.memref_slice %arg4[%add3A_72, %dma_wait3A_106, %mul3A_74] : memref<18432x1x768xf32, #tpu.memory_space<hbm>> -> memref<128x1x192xf32, #tpu.memory_space<hbm>>
    %dma_wait3A_110 = tpu.memref_squeeze %dma_wait3A_109 : memref<128x1x192xf32, #tpu.memory_space<hbm>> -> memref<128x192xf32, #tpu.memory_space<hbm>>
    tpu.wait_dma2 semaphore(%arg14 : memref<!tpu.dma_semaphore, #tpu.memory_space<semaphore_mem>>) src(%arg8 : memref<128x192xf32, #tpu.memory_space<vmem>>) dst(%dma_wait3A_110 : memref<128x192xf32, #tpu.memory_space<hbm>>)
    %dma_start3A_111 = arith.constant 512 : i32
    %dma_start3A_112 = tpu.memref_slice %arg6[%dma_start3A_111] : memref<2304xi32, #tpu.memory_space<vmem>> -> memref<128xi32, #tpu.memory_space<vmem>>
    %dma_start3A_113 = arith.constant 0 : i32
    %dma_start3A_114 = arith.constant 0 : i32
    %dma_start3A_115 = tpu.memref_slice %arg5[%dma_start3A_113, %dma_start3A_114] : memref<4096x192xf32, #tpu.memory_space<vmem_shared>> -> memref<4096x192xf32, #tpu.memory_space<vmem_shared>>
    tpu.enqueue_indirect_dma source(%dma_start3A_115 : memref<4096x192xf32, #tpu.memory_space<vmem_shared>>) target(%arg8 : memref<128x192xf32, #tpu.memory_space<vmem>>) offsets(%dma_start3A_112 : memref<128xi32, #tpu.memory_space<vmem>>) semaphore(%arg11 : memref<!tpu.dma_semaphore, #tpu.memory_space<semaphore_mem>>)
    %dma_wait3A_116 = arith.constant 384 : i32
    %dma_wait3A_117 = tpu.memref_slice %arg6[%dma_wait3A_116] : memref<2304xi32, #tpu.memory_space<vmem>> -> memref<128xi32, #tpu.memory_space<vmem>>
    %dma_wait3A_118 = arith.constant 0 : i32
    %dma_wait3A_119 = arith.constant 0 : i32
    %dma_wait3A_120 = tpu.memref_slice %arg5[%dma_wait3A_118, %dma_wait3A_119] : memref<4096x192xf32, #tpu.memory_space<vmem_shared>> -> memref<4096x192xf32, #tpu.memory_space<vmem_shared>>
    tpu.wait_indirect_dma semaphore(%arg10 : memref<!tpu.dma_semaphore, #tpu.memory_space<semaphore_mem>>) src(%dma_wait3A_120 : memref<4096x192xf32, #tpu.memory_space<vmem_shared>>) dst(%arg7 : memref<128x192xf32, #tpu.memory_space<vmem>>)
    %mul3A_121 = arith.constant 2304 : i32
    %mul3A_122 = arith.muli %select_n3A_30, %mul3A_121 : i32
    %add3A_123 = arith.constant 384 : i32
    %add3A_124 = arith.addi %mul3A_122, %add3A_123 : i32
    %mul3A_125 = arith.constant 192 : i32
    %mul3A_126 = arith.muli %select_n3A, %mul3A_125 : i32
    %dma_start3A_127 = arith.constant 0 : i32
    %dma_start3A_128 = tpu.memref_slice %arg4[%add3A_124, %dma_start3A_127, %mul3A_126] : memref<18432x1x768xf32, #tpu.memory_space<hbm>> -> memref<128x1x192xf32, #tpu.memory_space<hbm>>
    %dma_start3A_129 = tpu.memref_squeeze %dma_start3A_128 : memref<128x1x192xf32, #tpu.memory_space<hbm>> -> memref<128x192xf32, #tpu.memory_space<hbm>>
    %dma_start3A_130 = tpu.memref_slice %arg4[%add3A_124, %dma_start3A_127, %mul3A_126] : memref<18432x1x768xf32, #tpu.memory_space<hbm>> -> memref<128x1x192xf32, #tpu.memory_space<hbm>>
    %dma_start3A_131 = tpu.memref_squeeze %dma_start3A_130 : memref<128x1x192xf32, #tpu.memory_space<hbm>> -> memref<128x192xf32, #tpu.memory_space<hbm>>
    tpu.enqueue_dma source(%arg7 : memref<128x192xf32, #tpu.memory_space<vmem>>) target(%dma_start3A_131 : memref<128x192xf32, #tpu.memory_space<hbm>>) target_semaphore(%arg13 : memref<!tpu.dma_semaphore, #tpu.memory_space<semaphore_mem>>)
    %dma_wait3A_132 = arith.constant 0 : i32
    %dma_wait3A_133 = tpu.memref_slice %arg4[%add3A_98, %dma_wait3A_132, %mul3A_100] : memref<18432x1x768xf32, #tpu.memory_space<hbm>> -> memref<128x1x192xf32, #tpu.memory_space<hbm>>
    %dma_wait3A_134 = tpu.memref_squeeze %dma_wait3A_133 : memref<128x1x192xf32, #tpu.memory_space<hbm>> -> memref<128x192xf32, #tpu.memory_space<hbm>>
    %dma_wait3A_135 = tpu.memref_slice %arg4[%add3A_98, %dma_wait3A_132, %mul3A_100] : memref<18432x1x768xf32, #tpu.memory_space<hbm>> -> memref<128x1x192xf32, #tpu.memory_space<hbm>>
    %dma_wait3A_136 = tpu.memref_squeeze %dma_wait3A_135 : memref<128x1x192xf32, #tpu.memory_space<hbm>> -> memref<128x192xf32, #tpu.memory_space<hbm>>
    tpu.wait_dma2 semaphore(%arg15 : memref<!tpu.dma_semaphore, #tpu.memory_space<semaphore_mem>>) src(%arg9 : memref<128x192xf32, #tpu.memory_space<vmem>>) dst(%dma_wait3A_136 : memref<128x192xf32, #tpu.memory_space<hbm>>)
    %dma_start3A_137 = arith.constant 640 : i32
    %dma_start3A_138 = tpu.memref_slice %arg6[%dma_start3A_137] : memref<2304xi32, #tpu.memory_space<vmem>> -> memref<128xi32, #tpu.memory_space<vmem>>
    %dma_start3A_139 = arith.constant 0 : i32
    %dma_start3A_140 = arith.constant 0 : i32
    %dma_start3A_141 = tpu.memref_slice %arg5[%dma_start3A_139, %dma_start3A_140] : memref<4096x192xf32, #tpu.memory_space<vmem_shared>> -> memref<4096x192xf32, #tpu.memory_space<vmem_shared>>
    tpu.enqueue_indirect_dma source(%dma_start3A_141 : memref<4096x192xf32, #tpu.memory_space<vmem_shared>>) target(%arg9 : memref<128x192xf32, #tpu.memory_space<vmem>>) offsets(%dma_start3A_138 : memref<128xi32, #tpu.memory_space<vmem>>) semaphore(%arg12 : memref<!tpu.dma_semaphore, #tpu.memory_space<semaphore_mem>>)
    %dma_wait3A_142 = arith.constant 512 : i32
    %dma_wait3A_143 = tpu.memref_slice %arg6[%dma_wait3A_142] : memref<2304xi32, #tpu.memory_space<vmem>> -> memref<128xi32, #tpu.memory_space<vmem>>
    %dma_wait3A_144 = arith.constant 0 : i32
    %dma_wait3A_145 = arith.constant 0 : i32
    %dma_wait3A_146 = tpu.memref_slice %arg5[%dma_wait3A_144, %dma_wait3A_145] : memref<4096x192xf32, #tpu.memory_space<vmem_shared>> -> memref<4096x192xf32, #tpu.memory_space<vmem_shared>>
    tpu.wait_indirect_dma semaphore(%arg11 : memref<!tpu.dma_semaphore, #tpu.memory_space<semaphore_mem>>) src(%dma_wait3A_146 : memref<4096x192xf32, #tpu.memory_space<vmem_shared>>) dst(%arg8 : memref<128x192xf32, #tpu.memory_space<vmem>>)
    %mul3A_147 = arith.constant 2304 : i32
    %mul3A_148 = arith.muli %select_n3A_30, %mul3A_147 : i32
    %add3A_149 = arith.constant 512 : i32
    %add3A_150 = arith.addi %mul3A_148, %add3A_149 : i32
    %mul3A_151 = arith.constant 192 : i32
    %mul3A_152 = arith.muli %select_n3A, %mul3A_151 : i32
    %dma_start3A_153 = arith.constant 0 : i32
    %dma_start3A_154 = tpu.memref_slice %arg4[%add3A_150, %dma_start3A_153, %mul3A_152] : memref<18432x1x768xf32, #tpu.memory_space<hbm>> -> memref<128x1x192xf32, #tpu.memory_space<hbm>>
    %dma_start3A_155 = tpu.memref_squeeze %dma_start3A_154 : memref<128x1x192xf32, #tpu.memory_space<hbm>> -> memref<128x192xf32, #tpu.memory_space<hbm>>
    %dma_start3A_156 = tpu.memref_slice %arg4[%add3A_150, %dma_start3A_153, %mul3A_152] : memref<18432x1x768xf32, #tpu.memory_space<hbm>> -> memref<128x1x192xf32, #tpu.memory_space<hbm>>
    %dma_start3A_157 = tpu.memref_squeeze %dma_start3A_156 : memref<128x1x192xf32, #tpu.memory_space<hbm>> -> memref<128x192xf32, #tpu.memory_space<hbm>>
    tpu.enqueue_dma source(%arg8 : memref<128x192xf32, #tpu.memory_space<vmem>>) target(%dma_start3A_157 : memref<128x192xf32, #tpu.memory_space<hbm>>) target_semaphore(%arg14 : memref<!tpu.dma_semaphore, #tpu.memory_space<semaphore_mem>>)
    %dma_wait3A_158 = arith.constant 0 : i32
    %dma_wait3A_159 = tpu.memref_slice %arg4[%add3A_124, %dma_wait3A_158, %mul3A_126] : memref<18432x1x768xf32, #tpu.memory_space<hbm>> -> memref<128x1x192xf32, #tpu.memory_space<hbm>>
    %dma_wait3A_160 = tpu.memref_squeeze %dma_wait3A_159 : memref<128x1x192xf32, #tpu.memory_space<hbm>> -> memref<128x192xf32, #tpu.memory_space<hbm>>
    %dma_wait3A_161 = tpu.memref_slice %arg4[%add3A_124, %dma_wait3A_158, %mul3A_126] : memref<18432x1x768xf32, #tpu.memory_space<hbm>> -> memref<128x1x192xf32, #tpu.memory_space<hbm>>
    %dma_wait3A_162 = tpu.memref_squeeze %dma_wait3A_161 : memref<128x1x192xf32, #tpu.memory_space<hbm>> -> memref<128x192xf32, #tpu.memory_space<hbm>>
    tpu.wait_dma2 semaphore(%arg13 : memref<!tpu.dma_semaphore, #tpu.memory_space<semaphore_mem>>) src(%arg7 : memref<128x192xf32, #tpu.memory_space<vmem>>) dst(%dma_wait3A_162 : memref<128x192xf32, #tpu.memory_space<hbm>>)
    %dma_start3A_163 = arith.constant 768 : i32
    %dma_start3A_164 = tpu.memref_slice %arg6[%dma_start3A_163] : memref<2304xi32, #tpu.memory_space<vmem>> -> memref<128xi32, #tpu.memory_space<vmem>>
    %dma_start3A_165 = arith.constant 0 : i32
    %dma_start3A_166 = arith.constant 0 : i32
    %dma_start3A_167 = tpu.memref_slice %arg5[%dma_start3A_165, %dma_start3A_166] : memref<4096x192xf32, #tpu.memory_space<vmem_shared>> -> memref<4096x192xf32, #tpu.memory_space<vmem_shared>>
    tpu.enqueue_indirect_dma source(%dma_start3A_167 : memref<4096x192xf32, #tpu.memory_space<vmem_shared>>) target(%arg7 : memref<128x192xf32, #tpu.memory_space<vmem>>) offsets(%dma_start3A_164 : memref<128xi32, #tpu.memory_space<vmem>>) semaphore(%arg10 : memref<!tpu.dma_semaphore, #tpu.memory_space<semaphore_mem>>)
    %dma_wait3A_168 = arith.constant 640 : i32
    %dma_wait3A_169 = tpu.memref_slice %arg6[%dma_wait3A_168] : memref<2304xi32, #tpu.memory_space<vmem>> -> memref<128xi32, #tpu.memory_space<vmem>>
    %dma_wait3A_170 = arith.constant 0 : i32
    %dma_wait3A_171 = arith.constant 0 : i32
    %dma_wait3A_172 = tpu.memref_slice %arg5[%dma_wait3A_170, %dma_wait3A_171] : memref<4096x192xf32, #tpu.memory_space<vmem_shared>> -> memref<4096x192xf32, #tpu.memory_space<vmem_shared>>
    tpu.wait_indirect_dma semaphore(%arg12 : memref<!tpu.dma_semaphore, #tpu.memory_space<semaphore_mem>>) src(%dma_wait3A_172 : memref<4096x192xf32, #tpu.memory_space<vmem_shared>>) dst(%arg9 : memref<128x192xf32, #tpu.memory_space<vmem>>)
    %mul3A_173 = arith.constant 2304 : i32
    %mul3A_174 = arith.muli %select_n3A_30, %mul3A_173 : i32
    %add3A_175 = arith.constant 640 : i32
    %add3A_176 = arith.addi %mul3A_174, %add3A_175 : i32
    %mul3A_177 = arith.constant 192 : i32
    %mul3A_178 = arith.muli %select_n3A, %mul3A_177 : i32
    %dma_start3A_179 = arith.constant 0 : i32
    %dma_start3A_180 = tpu.memref_slice %arg4[%add3A_176, %dma_start3A_179, %mul3A_178] : memref<18432x1x768xf32, #tpu.memory_space<hbm>> -> memref<128x1x192xf32, #tpu.memory_space<hbm>>
    %dma_start3A_181 = tpu.memref_squeeze %dma_start3A_180 : memref<128x1x192xf32, #tpu.memory_space<hbm>> -> memref<128x192xf32, #tpu.memory_space<hbm>>
    %dma_start3A_182 = tpu.memref_slice %arg4[%add3A_176, %dma_start3A_179, %mul3A_178] : memref<18432x1x768xf32, #tpu.memory_space<hbm>> -> memref<128x1x192xf32, #tpu.memory_space<hbm>>
    %dma_start3A_183 = tpu.memref_squeeze %dma_start3A_182 : memref<128x1x192xf32, #tpu.memory_space<hbm>> -> memref<128x192xf32, #tpu.memory_space<hbm>>
    tpu.enqueue_dma source(%arg9 : memref<128x192xf32, #tpu.memory_space<vmem>>) target(%dma_start3A_183 : memref<128x192xf32, #tpu.memory_space<hbm>>) target_semaphore(%arg15 : memref<!tpu.dma_semaphore, #tpu.memory_space<semaphore_mem>>)
    %dma_wait3A_184 = arith.constant 0 : i32
    %dma_wait3A_185 = tpu.memref_slice %arg4[%add3A_150, %dma_wait3A_184, %mul3A_152] : memref<18432x1x768xf32, #tpu.memory_space<hbm>> -> memref<128x1x192xf32, #tpu.memory_space<hbm>>
    %dma_wait3A_186 = tpu.memref_squeeze %dma_wait3A_185 : memref<128x1x192xf32, #tpu.memory_space<hbm>> -> memref<128x192xf32, #tpu.memory_space<hbm>>
    %dma_wait3A_187 = tpu.memref_slice %arg4[%add3A_150, %dma_wait3A_184, %mul3A_152] : memref<18432x1x768xf32, #tpu.memory_space<hbm>> -> memref<128x1x192xf32, #tpu.memory_space<hbm>>
    %dma_wait3A_188 = tpu.memref_squeeze %dma_wait3A_187 : memref<128x1x192xf32, #tpu.memory_space<hbm>> -> memref<128x192xf32, #tpu.memory_space<hbm>>
    tpu.wait_dma2 semaphore(%arg14 : memref<!tpu.dma_semaphore, #tpu.memory_space<semaphore_mem>>) src(%arg8 : memref<128x192xf32, #tpu.memory_space<vmem>>) dst(%dma_wait3A_188 : memref<128x192xf32, #tpu.memory_space<hbm>>)
    %dma_start3A_189 = arith.constant 896 : i32
    %dma_start3A_190 = tpu.memref_slice %arg6[%dma_start3A_189] : memref<2304xi32, #tpu.memory_space<vmem>> -> memref<128xi32, #tpu.memory_space<vmem>>
    %dma_start3A_191 = arith.constant 0 : i32
    %dma_start3A_192 = arith.constant 0 : i32
    %dma_start3A_193 = tpu.memref_slice %arg5[%dma_start3A_191, %dma_start3A_192] : memref<4096x192xf32, #tpu.memory_space<vmem_shared>> -> memref<4096x192xf32, #tpu.memory_space<vmem_shared>>
    tpu.enqueue_indirect_dma source(%dma_start3A_193 : memref<4096x192xf32, #tpu.memory_space<vmem_shared>>) target(%arg8 : memref<128x192xf32, #tpu.memory_space<vmem>>) offsets(%dma_start3A_190 : memref<128xi32, #tpu.memory_space<vmem>>) semaphore(%arg11 : memref<!tpu.dma_semaphore, #tpu.memory_space<semaphore_mem>>)
    %dma_wait3A_194 = arith.constant 768 : i32
    %dma_wait3A_195 = tpu.memref_slice %arg6[%dma_wait3A_194] : memref<2304xi32, #tpu.memory_space<vmem>> -> memref<128xi32, #tpu.memory_space<vmem>>
    %dma_wait3A_196 = arith.constant 0 : i32
    %dma_wait3A_197 = arith.constant 0 : i32
    %dma_wait3A_198 = tpu.memref_slice %arg5[%dma_wait3A_196, %dma_wait3A_197] : memref<4096x192xf32, #tpu.memory_space<vmem_shared>> -> memref<4096x192xf32, #tpu.memory_space<vmem_shared>>
    tpu.wait_indirect_dma semaphore(%arg10 : memref<!tpu.dma_semaphore, #tpu.memory_space<semaphore_mem>>) src(%dma_wait3A_198 : memref<4096x192xf32, #tpu.memory_space<vmem_shared>>) dst(%arg7 : memref<128x192xf32, #tpu.memory_space<vmem>>)
    %mul3A_199 = arith.constant 2304 : i32
    %mul3A_200 = arith.muli %select_n3A_30, %mul3A_199 : i32
    %add3A_201 = arith.constant 768 : i32
    %add3A_202 = arith.addi %mul3A_200, %add3A_201 : i32
    %mul3A_203 = arith.constant 192 : i32
    %mul3A_204 = arith.muli %select_n3A, %mul3A_203 : i32
    %dma_start3A_205 = arith.constant 0 : i32
    %dma_start3A_206 = tpu.memref_slice %arg4[%add3A_202, %dma_start3A_205, %mul3A_204] : memref<18432x1x768xf32, #tpu.memory_space<hbm>> -> memref<128x1x192xf32, #tpu.memory_space<hbm>>
    %dma_start3A_207 = tpu.memref_squeeze %dma_start3A_206 : memref<128x1x192xf32, #tpu.memory_space<hbm>> -> memref<128x192xf32, #tpu.memory_space<hbm>>
    %dma_start3A_208 = tpu.memref_slice %arg4[%add3A_202, %dma_start3A_205, %mul3A_204] : memref<18432x1x768xf32, #tpu.memory_space<hbm>> -> memref<128x1x192xf32, #tpu.memory_space<hbm>>
    %dma_start3A_209 = tpu.memref_squeeze %dma_start3A_208 : memref<128x1x192xf32, #tpu.memory_space<hbm>> -> memref<128x192xf32, #tpu.memory_space<hbm>>
    tpu.enqueue_dma source(%arg7 : memref<128x192xf32, #tpu.memory_space<vmem>>) target(%dma_start3A_209 : memref<128x192xf32, #tpu.memory_space<hbm>>) target_semaphore(%arg13 : memref<!tpu.dma_semaphore, #tpu.memory_space<semaphore_mem>>)
    %dma_wait3A_210 = arith.constant 0 : i32
    %dma_wait3A_211 = tpu.memref_slice %arg4[%add3A_176, %dma_wait3A_210, %mul3A_178] : memref<18432x1x768xf32, #tpu.memory_space<hbm>> -> memref<128x1x192xf32, #tpu.memory_space<hbm>>
    %dma_wait3A_212 = tpu.memref_squeeze %dma_wait3A_211 : memref<128x1x192xf32, #tpu.memory_space<hbm>> -> memref<128x192xf32, #tpu.memory_space<hbm>>
    %dma_wait3A_213 = tpu.memref_slice %arg4[%add3A_176, %dma_wait3A_210, %mul3A_178] : memref<18432x1x768xf32, #tpu.memory_space<hbm>> -> memref<128x1x192xf32, #tpu.memory_space<hbm>>
    %dma_wait3A_214 = tpu.memref_squeeze %dma_wait3A_213 : memref<128x1x192xf32, #tpu.memory_space<hbm>> -> memref<128x192xf32, #tpu.memory_space<hbm>>
    tpu.wait_dma2 semaphore(%arg15 : memref<!tpu.dma_semaphore, #tpu.memory_space<semaphore_mem>>) src(%arg9 : memref<128x192xf32, #tpu.memory_space<vmem>>) dst(%dma_wait3A_214 : memref<128x192xf32, #tpu.memory_space<hbm>>)
    %dma_start3A_215 = arith.constant 1024 : i32
    %dma_start3A_216 = tpu.memref_slice %arg6[%dma_start3A_215] : memref<2304xi32, #tpu.memory_space<vmem>> -> memref<128xi32, #tpu.memory_space<vmem>>
    %dma_start3A_217 = arith.constant 0 : i32
    %dma_start3A_218 = arith.constant 0 : i32
    %dma_start3A_219 = tpu.memref_slice %arg5[%dma_start3A_217, %dma_start3A_218] : memref<4096x192xf32, #tpu.memory_space<vmem_shared>> -> memref<4096x192xf32, #tpu.memory_space<vmem_shared>>
    tpu.enqueue_indirect_dma source(%dma_start3A_219 : memref<4096x192xf32, #tpu.memory_space<vmem_shared>>) target(%arg9 : memref<128x192xf32, #tpu.memory_space<vmem>>) offsets(%dma_start3A_216 : memref<128xi32, #tpu.memory_space<vmem>>) semaphore(%arg12 : memref<!tpu.dma_semaphore, #tpu.memory_space<semaphore_mem>>)
    %dma_wait3A_220 = arith.constant 896 : i32
    %dma_wait3A_221 = tpu.memref_slice %arg6[%dma_wait3A_220] : memref<2304xi32, #tpu.memory_space<vmem>> -> memref<128xi32, #tpu.memory_space<vmem>>
    %dma_wait3A_222 = arith.constant 0 : i32
    %dma_wait3A_223 = arith.constant 0 : i32
    %dma_wait3A_224 = tpu.memref_slice %arg5[%dma_wait3A_222, %dma_wait3A_223] : memref<4096x192xf32, #tpu.memory_space<vmem_shared>> -> memref<4096x192xf32, #tpu.memory_space<vmem_shared>>
    tpu.wait_indirect_dma semaphore(%arg11 : memref<!tpu.dma_semaphore, #tpu.memory_space<semaphore_mem>>) src(%dma_wait3A_224 : memref<4096x192xf32, #tpu.memory_space<vmem_shared>>) dst(%arg8 : memref<128x192xf32, #tpu.memory_space<vmem>>)
    %mul3A_225 = arith.constant 2304 : i32
    %mul3A_226 = arith.muli %select_n3A_30, %mul3A_225 : i32
    %add3A_227 = arith.constant 896 : i32
    %add3A_228 = arith.addi %mul3A_226, %add3A_227 : i32
    %mul3A_229 = arith.constant 192 : i32
    %mul3A_230 = arith.muli %select_n3A, %mul3A_229 : i32
    %dma_start3A_231 = arith.constant 0 : i32
    %dma_start3A_232 = tpu.memref_slice %arg4[%add3A_228, %dma_start3A_231, %mul3A_230] : memref<18432x1x768xf32, #tpu.memory_space<hbm>> -> memref<128x1x192xf32, #tpu.memory_space<hbm>>
    %dma_start3A_233 = tpu.memref_squeeze %dma_start3A_232 : memref<128x1x192xf32, #tpu.memory_space<hbm>> -> memref<128x192xf32, #tpu.memory_space<hbm>>
    %dma_start3A_234 = tpu.memref_slice %arg4[%add3A_228, %dma_start3A_231, %mul3A_230] : memref<18432x1x768xf32, #tpu.memory_space<hbm>> -> memref<128x1x192xf32, #tpu.memory_space<hbm>>
    %dma_start3A_235 = tpu.memref_squeeze %dma_start3A_234 : memref<128x1x192xf32, #tpu.memory_space<hbm>> -> memref<128x192xf32, #tpu.memory_space<hbm>>
    tpu.enqueue_dma source(%arg8 : memref<128x192xf32, #tpu.memory_space<vmem>>) target(%dma_start3A_235 : memref<128x192xf32, #tpu.memory_space<hbm>>) target_semaphore(%arg14 : memref<!tpu.dma_semaphore, #tpu.memory_space<semaphore_mem>>)
    %dma_wait3A_236 = arith.constant 0 : i32
    %dma_wait3A_237 = tpu.memref_slice %arg4[%add3A_202, %dma_wait3A_236, %mul3A_204] : memref<18432x1x768xf32, #tpu.memory_space<hbm>> -> memref<128x1x192xf32, #tpu.memory_space<hbm>>
    %dma_wait3A_238 = tpu.memref_squeeze %dma_wait3A_237 : memref<128x1x192xf32, #tpu.memory_space<hbm>> -> memref<128x192xf32, #tpu.memory_space<hbm>>
    %dma_wait3A_239 = tpu.memref_slice %arg4[%add3A_202, %dma_wait3A_236, %mul3A_204] : memref<18432x1x768xf32, #tpu.memory_space<hbm>> -> memref<128x1x192xf32, #tpu.memory_space<hbm>>
    %dma_wait3A_240 = tpu.memref_squeeze %dma_wait3A_239 : memref<128x1x192xf32, #tpu.memory_space<hbm>> -> memref<128x192xf32, #tpu.memory_space<hbm>>
    tpu.wait_dma2 semaphore(%arg13 : memref<!tpu.dma_semaphore, #tpu.memory_space<semaphore_mem>>) src(%arg7 : memref<128x192xf32, #tpu.memory_space<vmem>>) dst(%dma_wait3A_240 : memref<128x192xf32, #tpu.memory_space<hbm>>)
    %dma_start3A_241 = arith.constant 1152 : i32
    %dma_start3A_242 = tpu.memref_slice %arg6[%dma_start3A_241] : memref<2304xi32, #tpu.memory_space<vmem>> -> memref<128xi32, #tpu.memory_space<vmem>>
    %dma_start3A_243 = arith.constant 0 : i32
    %dma_start3A_244 = arith.constant 0 : i32
    %dma_start3A_245 = tpu.memref_slice %arg5[%dma_start3A_243, %dma_start3A_244] : memref<4096x192xf32, #tpu.memory_space<vmem_shared>> -> memref<4096x192xf32, #tpu.memory_space<vmem_shared>>
    tpu.enqueue_indirect_dma source(%dma_start3A_245 : memref<4096x192xf32, #tpu.memory_space<vmem_shared>>) target(%arg7 : memref<128x192xf32, #tpu.memory_space<vmem>>) offsets(%dma_start3A_242 : memref<128xi32, #tpu.memory_space<vmem>>) semaphore(%arg10 : memref<!tpu.dma_semaphore, #tpu.memory_space<semaphore_mem>>)
    %dma_wait3A_246 = arith.constant 1024 : i32
    %dma_wait3A_247 = tpu.memref_slice %arg6[%dma_wait3A_246] : memref<2304xi32, #tpu.memory_space<vmem>> -> memref<128xi32, #tpu.memory_space<vmem>>
    %dma_wait3A_248 = arith.constant 0 : i32
    %dma_wait3A_249 = arith.constant 0 : i32
    %dma_wait3A_250 = tpu.memref_slice %arg5[%dma_wait3A_248, %dma_wait3A_249] : memref<4096x192xf32, #tpu.memory_space<vmem_shared>> -> memref<4096x192xf32, #tpu.memory_space<vmem_shared>>
    tpu.wait_indirect_dma semaphore(%arg12 : memref<!tpu.dma_semaphore, #tpu.memory_space<semaphore_mem>>) src(%dma_wait3A_250 : memref<4096x192xf32, #tpu.memory_space<vmem_shared>>) dst(%arg9 : memref<128x192xf32, #tpu.memory_space<vmem>>)
    %mul3A_251 = arith.constant 2304 : i32
    %mul3A_252 = arith.muli %select_n3A_30, %mul3A_251 : i32
    %add3A_253 = arith.constant 1024 : i32
    %add3A_254 = arith.addi %mul3A_252, %add3A_253 : i32
    %mul3A_255 = arith.constant 192 : i32
    %mul3A_256 = arith.muli %select_n3A, %mul3A_255 : i32
    %dma_start3A_257 = arith.constant 0 : i32
    %dma_start3A_258 = tpu.memref_slice %arg4[%add3A_254, %dma_start3A_257, %mul3A_256] : memref<18432x1x768xf32, #tpu.memory_space<hbm>> -> memref<128x1x192xf32, #tpu.memory_space<hbm>>
    %dma_start3A_259 = tpu.memref_squeeze %dma_start3A_258 : memref<128x1x192xf32, #tpu.memory_space<hbm>> -> memref<128x192xf32, #tpu.memory_space<hbm>>
    %dma_start3A_260 = tpu.memref_slice %arg4[%add3A_254, %dma_start3A_257, %mul3A_256] : memref<18432x1x768xf32, #tpu.memory_space<hbm>> -> memref<128x1x192xf32, #tpu.memory_space<hbm>>
    %dma_start3A_261 = tpu.memref_squeeze %dma_start3A_260 : memref<128x1x192xf32, #tpu.memory_space<hbm>> -> memref<128x192xf32, #tpu.memory_space<hbm>>
    tpu.enqueue_dma source(%arg9 : memref<128x192xf32, #tpu.memory_space<vmem>>) target(%dma_start3A_261 : memref<128x192xf32, #tpu.memory_space<hbm>>) target_semaphore(%arg15 : memref<!tpu.dma_semaphore, #tpu.memory_space<semaphore_mem>>)
    %dma_wait3A_262 = arith.constant 0 : i32
    %dma_wait3A_263 = tpu.memref_slice %arg4[%add3A_228, %dma_wait3A_262, %mul3A_230] : memref<18432x1x768xf32, #tpu.memory_space<hbm>> -> memref<128x1x192xf32, #tpu.memory_space<hbm>>
    %dma_wait3A_264 = tpu.memref_squeeze %dma_wait3A_263 : memref<128x1x192xf32, #tpu.memory_space<hbm>> -> memref<128x192xf32, #tpu.memory_space<hbm>>
    %dma_wait3A_265 = tpu.memref_slice %arg4[%add3A_228, %dma_wait3A_262, %mul3A_230] : memref<18432x1x768xf32, #tpu.memory_space<hbm>> -> memref<128x1x192xf32, #tpu.memory_space<hbm>>
    %dma_wait3A_266 = tpu.memref_squeeze %dma_wait3A_265 : memref<128x1x192xf32, #tpu.memory_space<hbm>> -> memref<128x192xf32, #tpu.memory_space<hbm>>
    tpu.wait_dma2 semaphore(%arg14 : memref<!tpu.dma_semaphore, #tpu.memory_space<semaphore_mem>>) src(%arg8 : memref<128x192xf32, #tpu.memory_space<vmem>>) dst(%dma_wait3A_266 : memref<128x192xf32, #tpu.memory_space<hbm>>)
    %dma_start3A_267 = arith.constant 1280 : i32
    %dma_start3A_268 = tpu.memref_slice %arg6[%dma_start3A_267] : memref<2304xi32, #tpu.memory_space<vmem>> -> memref<128xi32, #tpu.memory_space<vmem>>
    %dma_start3A_269 = arith.constant 0 : i32
    %dma_start3A_270 = arith.constant 0 : i32
    %dma_start3A_271 = tpu.memref_slice %arg5[%dma_start3A_269, %dma_start3A_270] : memref<4096x192xf32, #tpu.memory_space<vmem_shared>> -> memref<4096x192xf32, #tpu.memory_space<vmem_shared>>
    tpu.enqueue_indirect_dma source(%dma_start3A_271 : memref<4096x192xf32, #tpu.memory_space<vmem_shared>>) target(%arg8 : memref<128x192xf32, #tpu.memory_space<vmem>>) offsets(%dma_start3A_268 : memref<128xi32, #tpu.memory_space<vmem>>) semaphore(%arg11 : memref<!tpu.dma_semaphore, #tpu.memory_space<semaphore_mem>>)
    %dma_wait3A_272 = arith.constant 1152 : i32
    %dma_wait3A_273 = tpu.memref_slice %arg6[%dma_wait3A_272] : memref<2304xi32, #tpu.memory_space<vmem>> -> memref<128xi32, #tpu.memory_space<vmem>>
    %dma_wait3A_274 = arith.constant 0 : i32
    %dma_wait3A_275 = arith.constant 0 : i32
    %dma_wait3A_276 = tpu.memref_slice %arg5[%dma_wait3A_274, %dma_wait3A_275] : memref<4096x192xf32, #tpu.memory_space<vmem_shared>> -> memref<4096x192xf32, #tpu.memory_space<vmem_shared>>
    tpu.wait_indirect_dma semaphore(%arg10 : memref<!tpu.dma_semaphore, #tpu.memory_space<semaphore_mem>>) src(%dma_wait3A_276 : memref<4096x192xf32, #tpu.memory_space<vmem_shared>>) dst(%arg7 : memref<128x192xf32, #tpu.memory_space<vmem>>)
    %mul3A_277 = arith.constant 2304 : i32
    %mul3A_278 = arith.muli %select_n3A_30, %mul3A_277 : i32
    %add3A_279 = arith.constant 1152 : i32
    %add3A_280 = arith.addi %mul3A_278, %add3A_279 : i32
    %mul3A_281 = arith.constant 192 : i32
    %mul3A_282 = arith.muli %select_n3A, %mul3A_281 : i32
    %dma_start3A_283 = arith.constant 0 : i32
    %dma_start3A_284 = tpu.memref_slice %arg4[%add3A_280, %dma_start3A_283, %mul3A_282] : memref<18432x1x768xf32, #tpu.memory_space<hbm>> -> memref<128x1x192xf32, #tpu.memory_space<hbm>>
    %dma_start3A_285 = tpu.memref_squeeze %dma_start3A_284 : memref<128x1x192xf32, #tpu.memory_space<hbm>> -> memref<128x192xf32, #tpu.memory_space<hbm>>
    %dma_start3A_286 = tpu.memref_slice %arg4[%add3A_280, %dma_start3A_283, %mul3A_282] : memref<18432x1x768xf32, #tpu.memory_space<hbm>> -> memref<128x1x192xf32, #tpu.memory_space<hbm>>
    %dma_start3A_287 = tpu.memref_squeeze %dma_start3A_286 : memref<128x1x192xf32, #tpu.memory_space<hbm>> -> memref<128x192xf32, #tpu.memory_space<hbm>>
    tpu.enqueue_dma source(%arg7 : memref<128x192xf32, #tpu.memory_space<vmem>>) target(%dma_start3A_287 : memref<128x192xf32, #tpu.memory_space<hbm>>) target_semaphore(%arg13 : memref<!tpu.dma_semaphore, #tpu.memory_space<semaphore_mem>>)
    %dma_wait3A_288 = arith.constant 0 : i32
    %dma_wait3A_289 = tpu.memref_slice %arg4[%add3A_254, %dma_wait3A_288, %mul3A_256] : memref<18432x1x768xf32, #tpu.memory_space<hbm>> -> memref<128x1x192xf32, #tpu.memory_space<hbm>>
    %dma_wait3A_290 = tpu.memref_squeeze %dma_wait3A_289 : memref<128x1x192xf32, #tpu.memory_space<hbm>> -> memref<128x192xf32, #tpu.memory_space<hbm>>
    %dma_wait3A_291 = tpu.memref_slice %arg4[%add3A_254, %dma_wait3A_288, %mul3A_256] : memref<18432x1x768xf32, #tpu.memory_space<hbm>> -> memref<128x1x192xf32, #tpu.memory_space<hbm>>
    %dma_wait3A_292 = tpu.memref_squeeze %dma_wait3A_291 : memref<128x1x192xf32, #tpu.memory_space<hbm>> -> memref<128x192xf32, #tpu.memory_space<hbm>>
    tpu.wait_dma2 semaphore(%arg15 : memref<!tpu.dma_semaphore, #tpu.memory_space<semaphore_mem>>) src(%arg9 : memref<128x192xf32, #tpu.memory_space<vmem>>) dst(%dma_wait3A_292 : memref<128x192xf32, #tpu.memory_space<hbm>>)
    %dma_start3A_293 = arith.constant 1408 : i32
    %dma_start3A_294 = tpu.memref_slice %arg6[%dma_start3A_293] : memref<2304xi32, #tpu.memory_space<vmem>> -> memref<128xi32, #tpu.memory_space<vmem>>
    %dma_start3A_295 = arith.constant 0 : i32
    %dma_start3A_296 = arith.constant 0 : i32
    %dma_start3A_297 = tpu.memref_slice %arg5[%dma_start3A_295, %dma_start3A_296] : memref<4096x192xf32, #tpu.memory_space<vmem_shared>> -> memref<4096x192xf32, #tpu.memory_space<vmem_shared>>
    tpu.enqueue_indirect_dma source(%dma_start3A_297 : memref<4096x192xf32, #tpu.memory_space<vmem_shared>>) target(%arg9 : memref<128x192xf32, #tpu.memory_space<vmem>>) offsets(%dma_start3A_294 : memref<128xi32, #tpu.memory_space<vmem>>) semaphore(%arg12 : memref<!tpu.dma_semaphore, #tpu.memory_space<semaphore_mem>>)
    %dma_wait3A_298 = arith.constant 1280 : i32
    %dma_wait3A_299 = tpu.memref_slice %arg6[%dma_wait3A_298] : memref<2304xi32, #tpu.memory_space<vmem>> -> memref<128xi32, #tpu.memory_space<vmem>>
    %dma_wait3A_300 = arith.constant 0 : i32
    %dma_wait3A_301 = arith.constant 0 : i32
    %dma_wait3A_302 = tpu.memref_slice %arg5[%dma_wait3A_300, %dma_wait3A_301] : memref<4096x192xf32, #tpu.memory_space<vmem_shared>> -> memref<4096x192xf32, #tpu.memory_space<vmem_shared>>
    tpu.wait_indirect_dma semaphore(%arg11 : memref<!tpu.dma_semaphore, #tpu.memory_space<semaphore_mem>>) src(%dma_wait3A_302 : memref<4096x192xf32, #tpu.memory_space<vmem_shared>>) dst(%arg8 : memref<128x192xf32, #tpu.memory_space<vmem>>)
    %mul3A_303 = arith.constant 2304 : i32
    %mul3A_304 = arith.muli %select_n3A_30, %mul3A_303 : i32
    %add3A_305 = arith.constant 1280 : i32
    %add3A_306 = arith.addi %mul3A_304, %add3A_305 : i32
    %mul3A_307 = arith.constant 192 : i32
    %mul3A_308 = arith.muli %select_n3A, %mul3A_307 : i32
    %dma_start3A_309 = arith.constant 0 : i32
    %dma_start3A_310 = tpu.memref_slice %arg4[%add3A_306, %dma_start3A_309, %mul3A_308] : memref<18432x1x768xf32, #tpu.memory_space<hbm>> -> memref<128x1x192xf32, #tpu.memory_space<hbm>>
    %dma_start3A_311 = tpu.memref_squeeze %dma_start3A_310 : memref<128x1x192xf32, #tpu.memory_space<hbm>> -> memref<128x192xf32, #tpu.memory_space<hbm>>
    %dma_start3A_312 = tpu.memref_slice %arg4[%add3A_306, %dma_start3A_309, %mul3A_308] : memref<18432x1x768xf32, #tpu.memory_space<hbm>> -> memref<128x1x192xf32, #tpu.memory_space<hbm>>
    %dma_start3A_313 = tpu.memref_squeeze %dma_start3A_312 : memref<128x1x192xf32, #tpu.memory_space<hbm>> -> memref<128x192xf32, #tpu.memory_space<hbm>>
    tpu.enqueue_dma source(%arg8 : memref<128x192xf32, #tpu.memory_space<vmem>>) target(%dma_start3A_313 : memref<128x192xf32, #tpu.memory_space<hbm>>) target_semaphore(%arg14 : memref<!tpu.dma_semaphore, #tpu.memory_space<semaphore_mem>>)
    %dma_wait3A_314 = arith.constant 0 : i32
    %dma_wait3A_315 = tpu.memref_slice %arg4[%add3A_280, %dma_wait3A_314, %mul3A_282] : memref<18432x1x768xf32, #tpu.memory_space<hbm>> -> memref<128x1x192xf32, #tpu.memory_space<hbm>>
    %dma_wait3A_316 = tpu.memref_squeeze %dma_wait3A_315 : memref<128x1x192xf32, #tpu.memory_space<hbm>> -> memref<128x192xf32, #tpu.memory_space<hbm>>
    %dma_wait3A_317 = tpu.memref_slice %arg4[%add3A_280, %dma_wait3A_314, %mul3A_282] : memref<18432x1x768xf32, #tpu.memory_space<hbm>> -> memref<128x1x192xf32, #tpu.memory_space<hbm>>
    %dma_wait3A_318 = tpu.memref_squeeze %dma_wait3A_317 : memref<128x1x192xf32, #tpu.memory_space<hbm>> -> memref<128x192xf32, #tpu.memory_space<hbm>>
    tpu.wait_dma2 semaphore(%arg13 : memref<!tpu.dma_semaphore, #tpu.memory_space<semaphore_mem>>) src(%arg7 : memref<128x192xf32, #tpu.memory_space<vmem>>) dst(%dma_wait3A_318 : memref<128x192xf32, #tpu.memory_space<hbm>>)
    %dma_start3A_319 = arith.constant 1536 : i32
    %dma_start3A_320 = tpu.memref_slice %arg6[%dma_start3A_319] : memref<2304xi32, #tpu.memory_space<vmem>> -> memref<128xi32, #tpu.memory_space<vmem>>
    %dma_start3A_321 = arith.constant 0 : i32
    %dma_start3A_322 = arith.constant 0 : i32
    %dma_start3A_323 = tpu.memref_slice %arg5[%dma_start3A_321, %dma_start3A_322] : memref<4096x192xf32, #tpu.memory_space<vmem_shared>> -> memref<4096x192xf32, #tpu.memory_space<vmem_shared>>
    tpu.enqueue_indirect_dma source(%dma_start3A_323 : memref<4096x192xf32, #tpu.memory_space<vmem_shared>>) target(%arg7 : memref<128x192xf32, #tpu.memory_space<vmem>>) offsets(%dma_start3A_320 : memref<128xi32, #tpu.memory_space<vmem>>) semaphore(%arg10 : memref<!tpu.dma_semaphore, #tpu.memory_space<semaphore_mem>>)
    %dma_wait3A_324 = arith.constant 1408 : i32
    %dma_wait3A_325 = tpu.memref_slice %arg6[%dma_wait3A_324] : memref<2304xi32, #tpu.memory_space<vmem>> -> memref<128xi32, #tpu.memory_space<vmem>>
    %dma_wait3A_326 = arith.constant 0 : i32
    %dma_wait3A_327 = arith.constant 0 : i32
    %dma_wait3A_328 = tpu.memref_slice %arg5[%dma_wait3A_326, %dma_wait3A_327] : memref<4096x192xf32, #tpu.memory_space<vmem_shared>> -> memref<4096x192xf32, #tpu.memory_space<vmem_shared>>
    tpu.wait_indirect_dma semaphore(%arg12 : memref<!tpu.dma_semaphore, #tpu.memory_space<semaphore_mem>>) src(%dma_wait3A_328 : memref<4096x192xf32, #tpu.memory_space<vmem_shared>>) dst(%arg9 : memref<128x192xf32, #tpu.memory_space<vmem>>)
    %mul3A_329 = arith.constant 2304 : i32
    %mul3A_330 = arith.muli %select_n3A_30, %mul3A_329 : i32
    %add3A_331 = arith.constant 1408 : i32
    %add3A_332 = arith.addi %mul3A_330, %add3A_331 : i32
    %mul3A_333 = arith.constant 192 : i32
    %mul3A_334 = arith.muli %select_n3A, %mul3A_333 : i32
    %dma_start3A_335 = arith.constant 0 : i32
    %dma_start3A_336 = tpu.memref_slice %arg4[%add3A_332, %dma_start3A_335, %mul3A_334] : memref<18432x1x768xf32, #tpu.memory_space<hbm>> -> memref<128x1x192xf32, #tpu.memory_space<hbm>>
    %dma_start3A_337 = tpu.memref_squeeze %dma_start3A_336 : memref<128x1x192xf32, #tpu.memory_space<hbm>> -> memref<128x192xf32, #tpu.memory_space<hbm>>
    %dma_start3A_338 = tpu.memref_slice %arg4[%add3A_332, %dma_start3A_335, %mul3A_334] : memref<18432x1x768xf32, #tpu.memory_space<hbm>> -> memref<128x1x192xf32, #tpu.memory_space<hbm>>
    %dma_start3A_339 = tpu.memref_squeeze %dma_start3A_338 : memref<128x1x192xf32, #tpu.memory_space<hbm>> -> memref<128x192xf32, #tpu.memory_space<hbm>>
    tpu.enqueue_dma source(%arg9 : memref<128x192xf32, #tpu.memory_space<vmem>>) target(%dma_start3A_339 : memref<128x192xf32, #tpu.memory_space<hbm>>) target_semaphore(%arg15 : memref<!tpu.dma_semaphore, #tpu.memory_space<semaphore_mem>>)
    %dma_wait3A_340 = arith.constant 0 : i32
    %dma_wait3A_341 = tpu.memref_slice %arg4[%add3A_306, %dma_wait3A_340, %mul3A_308] : memref<18432x1x768xf32, #tpu.memory_space<hbm>> -> memref<128x1x192xf32, #tpu.memory_space<hbm>>
    %dma_wait3A_342 = tpu.memref_squeeze %dma_wait3A_341 : memref<128x1x192xf32, #tpu.memory_space<hbm>> -> memref<128x192xf32, #tpu.memory_space<hbm>>
    %dma_wait3A_343 = tpu.memref_slice %arg4[%add3A_306, %dma_wait3A_340, %mul3A_308] : memref<18432x1x768xf32, #tpu.memory_space<hbm>> -> memref<128x1x192xf32, #tpu.memory_space<hbm>>
    %dma_wait3A_344 = tpu.memref_squeeze %dma_wait3A_343 : memref<128x1x192xf32, #tpu.memory_space<hbm>> -> memref<128x192xf32, #tpu.memory_space<hbm>>
    tpu.wait_dma2 semaphore(%arg14 : memref<!tpu.dma_semaphore, #tpu.memory_space<semaphore_mem>>) src(%arg8 : memref<128x192xf32, #tpu.memory_space<vmem>>) dst(%dma_wait3A_344 : memref<128x192xf32, #tpu.memory_space<hbm>>)
    %dma_start3A_345 = arith.constant 1664 : i32
    %dma_start3A_346 = tpu.memref_slice %arg6[%dma_start3A_345] : memref<2304xi32, #tpu.memory_space<vmem>> -> memref<128xi32, #tpu.memory_space<vmem>>
    %dma_start3A_347 = arith.constant 0 : i32
    %dma_start3A_348 = arith.constant 0 : i32
    %dma_start3A_349 = tpu.memref_slice %arg5[%dma_start3A_347, %dma_start3A_348] : memref<4096x192xf32, #tpu.memory_space<vmem_shared>> -> memref<4096x192xf32, #tpu.memory_space<vmem_shared>>
    tpu.enqueue_indirect_dma source(%dma_start3A_349 : memref<4096x192xf32, #tpu.memory_space<vmem_shared>>) target(%arg8 : memref<128x192xf32, #tpu.memory_space<vmem>>) offsets(%dma_start3A_346 : memref<128xi32, #tpu.memory_space<vmem>>) semaphore(%arg11 : memref<!tpu.dma_semaphore, #tpu.memory_space<semaphore_mem>>)
    %dma_wait3A_350 = arith.constant 1536 : i32
    %dma_wait3A_351 = tpu.memref_slice %arg6[%dma_wait3A_350] : memref<2304xi32, #tpu.memory_space<vmem>> -> memref<128xi32, #tpu.memory_space<vmem>>
    %dma_wait3A_352 = arith.constant 0 : i32
    %dma_wait3A_353 = arith.constant 0 : i32
    %dma_wait3A_354 = tpu.memref_slice %arg5[%dma_wait3A_352, %dma_wait3A_353] : memref<4096x192xf32, #tpu.memory_space<vmem_shared>> -> memref<4096x192xf32, #tpu.memory_space<vmem_shared>>
    tpu.wait_indirect_dma semaphore(%arg10 : memref<!tpu.dma_semaphore, #tpu.memory_space<semaphore_mem>>) src(%dma_wait3A_354 : memref<4096x192xf32, #tpu.memory_space<vmem_shared>>) dst(%arg7 : memref<128x192xf32, #tpu.memory_space<vmem>>)
    %mul3A_355 = arith.constant 2304 : i32
    %mul3A_356 = arith.muli %select_n3A_30, %mul3A_355 : i32
    %add3A_357 = arith.constant 1536 : i32
    %add3A_358 = arith.addi %mul3A_356, %add3A_357 : i32
    %mul3A_359 = arith.constant 192 : i32
    %mul3A_360 = arith.muli %select_n3A, %mul3A_359 : i32
    %dma_start3A_361 = arith.constant 0 : i32
    %dma_start3A_362 = tpu.memref_slice %arg4[%add3A_358, %dma_start3A_361, %mul3A_360] : memref<18432x1x768xf32, #tpu.memory_space<hbm>> -> memref<128x1x192xf32, #tpu.memory_space<hbm>>
    %dma_start3A_363 = tpu.memref_squeeze %dma_start3A_362 : memref<128x1x192xf32, #tpu.memory_space<hbm>> -> memref<128x192xf32, #tpu.memory_space<hbm>>
    %dma_start3A_364 = tpu.memref_slice %arg4[%add3A_358, %dma_start3A_361, %mul3A_360] : memref<18432x1x768xf32, #tpu.memory_space<hbm>> -> memref<128x1x192xf32, #tpu.memory_space<hbm>>
    %dma_start3A_365 = tpu.memref_squeeze %dma_start3A_364 : memref<128x1x192xf32, #tpu.memory_space<hbm>> -> memref<128x192xf32, #tpu.memory_space<hbm>>
    tpu.enqueue_dma source(%arg7 : memref<128x192xf32, #tpu.memory_space<vmem>>) target(%dma_start3A_365 : memref<128x192xf32, #tpu.memory_space<hbm>>) target_semaphore(%arg13 : memref<!tpu.dma_semaphore, #tpu.memory_space<semaphore_mem>>)
    %dma_wait3A_366 = arith.constant 0 : i32
    %dma_wait3A_367 = tpu.memref_slice %arg4[%add3A_332, %dma_wait3A_366, %mul3A_334] : memref<18432x1x768xf32, #tpu.memory_space<hbm>> -> memref<128x1x192xf32, #tpu.memory_space<hbm>>
    %dma_wait3A_368 = tpu.memref_squeeze %dma_wait3A_367 : memref<128x1x192xf32, #tpu.memory_space<hbm>> -> memref<128x192xf32, #tpu.memory_space<hbm>>
    %dma_wait3A_369 = tpu.memref_slice %arg4[%add3A_332, %dma_wait3A_366, %mul3A_334] : memref<18432x1x768xf32, #tpu.memory_space<hbm>> -> memref<128x1x192xf32, #tpu.memory_space<hbm>>
    %dma_wait3A_370 = tpu.memref_squeeze %dma_wait3A_369 : memref<128x1x192xf32, #tpu.memory_space<hbm>> -> memref<128x192xf32, #tpu.memory_space<hbm>>
    tpu.wait_dma2 semaphore(%arg15 : memref<!tpu.dma_semaphore, #tpu.memory_space<semaphore_mem>>) src(%arg9 : memref<128x192xf32, #tpu.memory_space<vmem>>) dst(%dma_wait3A_370 : memref<128x192xf32, #tpu.memory_space<hbm>>)
    %dma_start3A_371 = arith.constant 1792 : i32
    %dma_start3A_372 = tpu.memref_slice %arg6[%dma_start3A_371] : memref<2304xi32, #tpu.memory_space<vmem>> -> memref<128xi32, #tpu.memory_space<vmem>>
    %dma_start3A_373 = arith.constant 0 : i32
    %dma_start3A_374 = arith.constant 0 : i32
    %dma_start3A_375 = tpu.memref_slice %arg5[%dma_start3A_373, %dma_start3A_374] : memref<4096x192xf32, #tpu.memory_space<vmem_shared>> -> memref<4096x192xf32, #tpu.memory_space<vmem_shared>>
    tpu.enqueue_indirect_dma source(%dma_start3A_375 : memref<4096x192xf32, #tpu.memory_space<vmem_shared>>) target(%arg9 : memref<128x192xf32, #tpu.memory_space<vmem>>) offsets(%dma_start3A_372 : memref<128xi32, #tpu.memory_space<vmem>>) semaphore(%arg12 : memref<!tpu.dma_semaphore, #tpu.memory_space<semaphore_mem>>)
    %dma_wait3A_376 = arith.constant 1664 : i32
    %dma_wait3A_377 = tpu.memref_slice %arg6[%dma_wait3A_376] : memref<2304xi32, #tpu.memory_space<vmem>> -> memref<128xi32, #tpu.memory_space<vmem>>
    %dma_wait3A_378 = arith.constant 0 : i32
    %dma_wait3A_379 = arith.constant 0 : i32
    %dma_wait3A_380 = tpu.memref_slice %arg5[%dma_wait3A_378, %dma_wait3A_379] : memref<4096x192xf32, #tpu.memory_space<vmem_shared>> -> memref<4096x192xf32, #tpu.memory_space<vmem_shared>>
    tpu.wait_indirect_dma semaphore(%arg11 : memref<!tpu.dma_semaphore, #tpu.memory_space<semaphore_mem>>) src(%dma_wait3A_380 : memref<4096x192xf32, #tpu.memory_space<vmem_shared>>) dst(%arg8 : memref<128x192xf32, #tpu.memory_space<vmem>>)
    %mul3A_381 = arith.constant 2304 : i32
    %mul3A_382 = arith.muli %select_n3A_30, %mul3A_381 : i32
    %add3A_383 = arith.constant 1664 : i32
    %add3A_384 = arith.addi %mul3A_382, %add3A_383 : i32
    %mul3A_385 = arith.constant 192 : i32
    %mul3A_386 = arith.muli %select_n3A, %mul3A_385 : i32
    %dma_start3A_387 = arith.constant 0 : i32
    %dma_start3A_388 = tpu.memref_slice %arg4[%add3A_384, %dma_start3A_387, %mul3A_386] : memref<18432x1x768xf32, #tpu.memory_space<hbm>> -> memref<128x1x192xf32, #tpu.memory_space<hbm>>
    %dma_start3A_389 = tpu.memref_squeeze %dma_start3A_388 : memref<128x1x192xf32, #tpu.memory_space<hbm>> -> memref<128x192xf32, #tpu.memory_space<hbm>>
    %dma_start3A_390 = tpu.memref_slice %arg4[%add3A_384, %dma_start3A_387, %mul3A_386] : memref<18432x1x768xf32, #tpu.memory_space<hbm>> -> memref<128x1x192xf32, #tpu.memory_space<hbm>>
    %dma_start3A_391 = tpu.memref_squeeze %dma_start3A_390 : memref<128x1x192xf32, #tpu.memory_space<hbm>> -> memref<128x192xf32, #tpu.memory_space<hbm>>
    tpu.enqueue_dma source(%arg8 : memref<128x192xf32, #tpu.memory_space<vmem>>) target(%dma_start3A_391 : memref<128x192xf32, #tpu.memory_space<hbm>>) target_semaphore(%arg14 : memref<!tpu.dma_semaphore, #tpu.memory_space<semaphore_mem>>)
    %dma_wait3A_392 = arith.constant 0 : i32
    %dma_wait3A_393 = tpu.memref_slice %arg4[%add3A_358, %dma_wait3A_392, %mul3A_360] : memref<18432x1x768xf32, #tpu.memory_space<hbm>> -> memref<128x1x192xf32, #tpu.memory_space<hbm>>
    %dma_wait3A_394 = tpu.memref_squeeze %dma_wait3A_393 : memref<128x1x192xf32, #tpu.memory_space<hbm>> -> memref<128x192xf32, #tpu.memory_space<hbm>>
    %dma_wait3A_395 = tpu.memref_slice %arg4[%add3A_358, %dma_wait3A_392, %mul3A_360] : memref<18432x1x768xf32, #tpu.memory_space<hbm>> -> memref<128x1x192xf32, #tpu.memory_space<hbm>>
    %dma_wait3A_396 = tpu.memref_squeeze %dma_wait3A_395 : memref<128x1x192xf32, #tpu.memory_space<hbm>> -> memref<128x192xf32, #tpu.memory_space<hbm>>
    tpu.wait_dma2 semaphore(%arg13 : memref<!tpu.dma_semaphore, #tpu.memory_space<semaphore_mem>>) src(%arg7 : memref<128x192xf32, #tpu.memory_space<vmem>>) dst(%dma_wait3A_396 : memref<128x192xf32, #tpu.memory_space<hbm>>)
    %dma_start3A_397 = arith.constant 1920 : i32
    %dma_start3A_398 = tpu.memref_slice %arg6[%dma_start3A_397] : memref<2304xi32, #tpu.memory_space<vmem>> -> memref<128xi32, #tpu.memory_space<vmem>>
    %dma_start3A_399 = arith.constant 0 : i32
    %dma_start3A_400 = arith.constant 0 : i32
    %dma_start3A_401 = tpu.memref_slice %arg5[%dma_start3A_399, %dma_start3A_400] : memref<4096x192xf32, #tpu.memory_space<vmem_shared>> -> memref<4096x192xf32, #tpu.memory_space<vmem_shared>>
    tpu.enqueue_indirect_dma source(%dma_start3A_401 : memref<4096x192xf32, #tpu.memory_space<vmem_shared>>) target(%arg7 : memref<128x192xf32, #tpu.memory_space<vmem>>) offsets(%dma_start3A_398 : memref<128xi32, #tpu.memory_space<vmem>>) semaphore(%arg10 : memref<!tpu.dma_semaphore, #tpu.memory_space<semaphore_mem>>)
    %dma_wait3A_402 = arith.constant 1792 : i32
    %dma_wait3A_403 = tpu.memref_slice %arg6[%dma_wait3A_402] : memref<2304xi32, #tpu.memory_space<vmem>> -> memref<128xi32, #tpu.memory_space<vmem>>
    %dma_wait3A_404 = arith.constant 0 : i32
    %dma_wait3A_405 = arith.constant 0 : i32
    %dma_wait3A_406 = tpu.memref_slice %arg5[%dma_wait3A_404, %dma_wait3A_405] : memref<4096x192xf32, #tpu.memory_space<vmem_shared>> -> memref<4096x192xf32, #tpu.memory_space<vmem_shared>>
    tpu.wait_indirect_dma semaphore(%arg12 : memref<!tpu.dma_semaphore, #tpu.memory_space<semaphore_mem>>) src(%dma_wait3A_406 : memref<4096x192xf32, #tpu.memory_space<vmem_shared>>) dst(%arg9 : memref<128x192xf32, #tpu.memory_space<vmem>>)
    %mul3A_407 = arith.constant 2304 : i32
    %mul3A_408 = arith.muli %select_n3A_30, %mul3A_407 : i32
    %add3A_409 = arith.constant 1792 : i32
    %add3A_410 = arith.addi %mul3A_408, %add3A_409 : i32
    %mul3A_411 = arith.constant 192 : i32
    %mul3A_412 = arith.muli %select_n3A, %mul3A_411 : i32
    %dma_start3A_413 = arith.constant 0 : i32
    %dma_start3A_414 = tpu.memref_slice %arg4[%add3A_410, %dma_start3A_413, %mul3A_412] : memref<18432x1x768xf32, #tpu.memory_space<hbm>> -> memref<128x1x192xf32, #tpu.memory_space<hbm>>
    %dma_start3A_415 = tpu.memref_squeeze %dma_start3A_414 : memref<128x1x192xf32, #tpu.memory_space<hbm>> -> memref<128x192xf32, #tpu.memory_space<hbm>>
    %dma_start3A_416 = tpu.memref_slice %arg4[%add3A_410, %dma_start3A_413, %mul3A_412] : memref<18432x1x768xf32, #tpu.memory_space<hbm>> -> memref<128x1x192xf32, #tpu.memory_space<hbm>>
    %dma_start3A_417 = tpu.memref_squeeze %dma_start3A_416 : memref<128x1x192xf32, #tpu.memory_space<hbm>> -> memref<128x192xf32, #tpu.memory_space<hbm>>
    tpu.enqueue_dma source(%arg9 : memref<128x192xf32, #tpu.memory_space<vmem>>) target(%dma_start3A_417 : memref<128x192xf32, #tpu.memory_space<hbm>>) target_semaphore(%arg15 : memref<!tpu.dma_semaphore, #tpu.memory_space<semaphore_mem>>)
    %dma_wait3A_418 = arith.constant 0 : i32
    %dma_wait3A_419 = tpu.memref_slice %arg4[%add3A_384, %dma_wait3A_418, %mul3A_386] : memref<18432x1x768xf32, #tpu.memory_space<hbm>> -> memref<128x1x192xf32, #tpu.memory_space<hbm>>
    %dma_wait3A_420 = tpu.memref_squeeze %dma_wait3A_419 : memref<128x1x192xf32, #tpu.memory_space<hbm>> -> memref<128x192xf32, #tpu.memory_space<hbm>>
    %dma_wait3A_421 = tpu.memref_slice %arg4[%add3A_384, %dma_wait3A_418, %mul3A_386] : memref<18432x1x768xf32, #tpu.memory_space<hbm>> -> memref<128x1x192xf32, #tpu.memory_space<hbm>>
    %dma_wait3A_422 = tpu.memref_squeeze %dma_wait3A_421 : memref<128x1x192xf32, #tpu.memory_space<hbm>> -> memref<128x192xf32, #tpu.memory_space<hbm>>
    tpu.wait_dma2 semaphore(%arg14 : memref<!tpu.dma_semaphore, #tpu.memory_space<semaphore_mem>>) src(%arg8 : memref<128x192xf32, #tpu.memory_space<vmem>>) dst(%dma_wait3A_422 : memref<128x192xf32, #tpu.memory_space<hbm>>)
    %dma_start3A_423 = arith.constant 2048 : i32
    %dma_start3A_424 = tpu.memref_slice %arg6[%dma_start3A_423] : memref<2304xi32, #tpu.memory_space<vmem>> -> memref<128xi32, #tpu.memory_space<vmem>>
    %dma_start3A_425 = arith.constant 0 : i32
    %dma_start3A_426 = arith.constant 0 : i32
    %dma_start3A_427 = tpu.memref_slice %arg5[%dma_start3A_425, %dma_start3A_426] : memref<4096x192xf32, #tpu.memory_space<vmem_shared>> -> memref<4096x192xf32, #tpu.memory_space<vmem_shared>>
    tpu.enqueue_indirect_dma source(%dma_start3A_427 : memref<4096x192xf32, #tpu.memory_space<vmem_shared>>) target(%arg8 : memref<128x192xf32, #tpu.memory_space<vmem>>) offsets(%dma_start3A_424 : memref<128xi32, #tpu.memory_space<vmem>>) semaphore(%arg11 : memref<!tpu.dma_semaphore, #tpu.memory_space<semaphore_mem>>)
    %dma_wait3A_428 = arith.constant 1920 : i32
    %dma_wait3A_429 = tpu.memref_slice %arg6[%dma_wait3A_428] : memref<2304xi32, #tpu.memory_space<vmem>> -> memref<128xi32, #tpu.memory_space<vmem>>
    %dma_wait3A_430 = arith.constant 0 : i32
    %dma_wait3A_431 = arith.constant 0 : i32
    %dma_wait3A_432 = tpu.memref_slice %arg5[%dma_wait3A_430, %dma_wait3A_431] : memref<4096x192xf32, #tpu.memory_space<vmem_shared>> -> memref<4096x192xf32, #tpu.memory_space<vmem_shared>>
    tpu.wait_indirect_dma semaphore(%arg10 : memref<!tpu.dma_semaphore, #tpu.memory_space<semaphore_mem>>) src(%dma_wait3A_432 : memref<4096x192xf32, #tpu.memory_space<vmem_shared>>) dst(%arg7 : memref<128x192xf32, #tpu.memory_space<vmem>>)
    %mul3A_433 = arith.constant 2304 : i32
    %mul3A_434 = arith.muli %select_n3A_30, %mul3A_433 : i32
    %add3A_435 = arith.constant 1920 : i32
    %add3A_436 = arith.addi %mul3A_434, %add3A_435 : i32
    %mul3A_437 = arith.constant 192 : i32
    %mul3A_438 = arith.muli %select_n3A, %mul3A_437 : i32
    %dma_start3A_439 = arith.constant 0 : i32
    %dma_start3A_440 = tpu.memref_slice %arg4[%add3A_436, %dma_start3A_439, %mul3A_438] : memref<18432x1x768xf32, #tpu.memory_space<hbm>> -> memref<128x1x192xf32, #tpu.memory_space<hbm>>
    %dma_start3A_441 = tpu.memref_squeeze %dma_start3A_440 : memref<128x1x192xf32, #tpu.memory_space<hbm>> -> memref<128x192xf32, #tpu.memory_space<hbm>>
    %dma_start3A_442 = tpu.memref_slice %arg4[%add3A_436, %dma_start3A_439, %mul3A_438] : memref<18432x1x768xf32, #tpu.memory_space<hbm>> -> memref<128x1x192xf32, #tpu.memory_space<hbm>>
    %dma_start3A_443 = tpu.memref_squeeze %dma_start3A_442 : memref<128x1x192xf32, #tpu.memory_space<hbm>> -> memref<128x192xf32, #tpu.memory_space<hbm>>
    tpu.enqueue_dma source(%arg7 : memref<128x192xf32, #tpu.memory_space<vmem>>) target(%dma_start3A_443 : memref<128x192xf32, #tpu.memory_space<hbm>>) target_semaphore(%arg13 : memref<!tpu.dma_semaphore, #tpu.memory_space<semaphore_mem>>)
    %dma_wait3A_444 = arith.constant 0 : i32
    %dma_wait3A_445 = tpu.memref_slice %arg4[%add3A_410, %dma_wait3A_444, %mul3A_412] : memref<18432x1x768xf32, #tpu.memory_space<hbm>> -> memref<128x1x192xf32, #tpu.memory_space<hbm>>
    %dma_wait3A_446 = tpu.memref_squeeze %dma_wait3A_445 : memref<128x1x192xf32, #tpu.memory_space<hbm>> -> memref<128x192xf32, #tpu.memory_space<hbm>>
    %dma_wait3A_447 = tpu.memref_slice %arg4[%add3A_410, %dma_wait3A_444, %mul3A_412] : memref<18432x1x768xf32, #tpu.memory_space<hbm>> -> memref<128x1x192xf32, #tpu.memory_space<hbm>>
    %dma_wait3A_448 = tpu.memref_squeeze %dma_wait3A_447 : memref<128x1x192xf32, #tpu.memory_space<hbm>> -> memref<128x192xf32, #tpu.memory_space<hbm>>
    tpu.wait_dma2 semaphore(%arg15 : memref<!tpu.dma_semaphore, #tpu.memory_space<semaphore_mem>>) src(%arg9 : memref<128x192xf32, #tpu.memory_space<vmem>>) dst(%dma_wait3A_448 : memref<128x192xf32, #tpu.memory_space<hbm>>)
    %dma_start3A_449 = arith.constant 2176 : i32
    %dma_start3A_450 = tpu.memref_slice %arg6[%dma_start3A_449] : memref<2304xi32, #tpu.memory_space<vmem>> -> memref<128xi32, #tpu.memory_space<vmem>>
    %dma_start3A_451 = arith.constant 0 : i32
    %dma_start3A_452 = arith.constant 0 : i32
    %dma_start3A_453 = tpu.memref_slice %arg5[%dma_start3A_451, %dma_start3A_452] : memref<4096x192xf32, #tpu.memory_space<vmem_shared>> -> memref<4096x192xf32, #tpu.memory_space<vmem_shared>>
    tpu.enqueue_indirect_dma source(%dma_start3A_453 : memref<4096x192xf32, #tpu.memory_space<vmem_shared>>) target(%arg9 : memref<128x192xf32, #tpu.memory_space<vmem>>) offsets(%dma_start3A_450 : memref<128xi32, #tpu.memory_space<vmem>>) semaphore(%arg12 : memref<!tpu.dma_semaphore, #tpu.memory_space<semaphore_mem>>)
    %dma_wait3A_454 = arith.constant 2048 : i32
    %dma_wait3A_455 = tpu.memref_slice %arg6[%dma_wait3A_454] : memref<2304xi32, #tpu.memory_space<vmem>> -> memref<128xi32, #tpu.memory_space<vmem>>
    %dma_wait3A_456 = arith.constant 0 : i32
    %dma_wait3A_457 = arith.constant 0 : i32
    %dma_wait3A_458 = tpu.memref_slice %arg5[%dma_wait3A_456, %dma_wait3A_457] : memref<4096x192xf32, #tpu.memory_space<vmem_shared>> -> memref<4096x192xf32, #tpu.memory_space<vmem_shared>>
    tpu.wait_indirect_dma semaphore(%arg11 : memref<!tpu.dma_semaphore, #tpu.memory_space<semaphore_mem>>) src(%dma_wait3A_458 : memref<4096x192xf32, #tpu.memory_space<vmem_shared>>) dst(%arg8 : memref<128x192xf32, #tpu.memory_space<vmem>>)
    %mul3A_459 = arith.constant 2304 : i32
    %mul3A_460 = arith.muli %select_n3A_30, %mul3A_459 : i32
    %add3A_461 = arith.constant 2048 : i32
    %add3A_462 = arith.addi %mul3A_460, %add3A_461 : i32
    %mul3A_463 = arith.constant 192 : i32
    %mul3A_464 = arith.muli %select_n3A, %mul3A_463 : i32
    %dma_start3A_465 = arith.constant 0 : i32
    %dma_start3A_466 = tpu.memref_slice %arg4[%add3A_462, %dma_start3A_465, %mul3A_464] : memref<18432x1x768xf32, #tpu.memory_space<hbm>> -> memref<128x1x192xf32, #tpu.memory_space<hbm>>
    %dma_start3A_467 = tpu.memref_squeeze %dma_start3A_466 : memref<128x1x192xf32, #tpu.memory_space<hbm>> -> memref<128x192xf32, #tpu.memory_space<hbm>>
    %dma_start3A_468 = tpu.memref_slice %arg4[%add3A_462, %dma_start3A_465, %mul3A_464] : memref<18432x1x768xf32, #tpu.memory_space<hbm>> -> memref<128x1x192xf32, #tpu.memory_space<hbm>>
    %dma_start3A_469 = tpu.memref_squeeze %dma_start3A_468 : memref<128x1x192xf32, #tpu.memory_space<hbm>> -> memref<128x192xf32, #tpu.memory_space<hbm>>
    tpu.enqueue_dma source(%arg8 : memref<128x192xf32, #tpu.memory_space<vmem>>) target(%dma_start3A_469 : memref<128x192xf32, #tpu.memory_space<hbm>>) target_semaphore(%arg14 : memref<!tpu.dma_semaphore, #tpu.memory_space<semaphore_mem>>)
    %dma_wait3A_470 = arith.constant 2176 : i32
    %dma_wait3A_471 = tpu.memref_slice %arg6[%dma_wait3A_470] : memref<2304xi32, #tpu.memory_space<vmem>> -> memref<128xi32, #tpu.memory_space<vmem>>
    %dma_wait3A_472 = arith.constant 0 : i32
    %dma_wait3A_473 = arith.constant 0 : i32
    %dma_wait3A_474 = tpu.memref_slice %arg5[%dma_wait3A_472, %dma_wait3A_473] : memref<4096x192xf32, #tpu.memory_space<vmem_shared>> -> memref<4096x192xf32, #tpu.memory_space<vmem_shared>>
    tpu.wait_indirect_dma semaphore(%arg12 : memref<!tpu.dma_semaphore, #tpu.memory_space<semaphore_mem>>) src(%dma_wait3A_474 : memref<4096x192xf32, #tpu.memory_space<vmem_shared>>) dst(%arg9 : memref<128x192xf32, #tpu.memory_space<vmem>>)
    %mul3A_475 = arith.constant 2304 : i32
    %mul3A_476 = arith.muli %select_n3A_30, %mul3A_475 : i32
    %add3A_477 = arith.constant 2176 : i32
    %add3A_478 = arith.addi %mul3A_476, %add3A_477 : i32
    %mul3A_479 = arith.constant 192 : i32
    %mul3A_480 = arith.muli %select_n3A, %mul3A_479 : i32
    %dma_start3A_481 = arith.constant 0 : i32
    %dma_start3A_482 = tpu.memref_slice %arg4[%add3A_478, %dma_start3A_481, %mul3A_480] : memref<18432x1x768xf32, #tpu.memory_space<hbm>> -> memref<128x1x192xf32, #tpu.memory_space<hbm>>
    %dma_start3A_483 = tpu.memref_squeeze %dma_start3A_482 : memref<128x1x192xf32, #tpu.memory_space<hbm>> -> memref<128x192xf32, #tpu.memory_space<hbm>>
    %dma_start3A_484 = tpu.memref_slice %arg4[%add3A_478, %dma_start3A_481, %mul3A_480] : memref<18432x1x768xf32, #tpu.memory_space<hbm>> -> memref<128x1x192xf32, #tpu.memory_space<hbm>>
    %dma_start3A_485 = tpu.memref_squeeze %dma_start3A_484 : memref<128x1x192xf32, #tpu.memory_space<hbm>> -> memref<128x192xf32, #tpu.memory_space<hbm>>
    tpu.enqueue_dma source(%arg9 : memref<128x192xf32, #tpu.memory_space<vmem>>) target(%dma_start3A_485 : memref<128x192xf32, #tpu.memory_space<hbm>>) target_semaphore(%arg15 : memref<!tpu.dma_semaphore, #tpu.memory_space<semaphore_mem>>)
    %dma_wait3A_486 = arith.constant 0 : i32
    %dma_wait3A_487 = tpu.memref_slice %arg4[%add3A_436, %dma_wait3A_486, %mul3A_438] : memref<18432x1x768xf32, #tpu.memory_space<hbm>> -> memref<128x1x192xf32, #tpu.memory_space<hbm>>
    %dma_wait3A_488 = tpu.memref_squeeze %dma_wait3A_487 : memref<128x1x192xf32, #tpu.memory_space<hbm>> -> memref<128x192xf32, #tpu.memory_space<hbm>>
    %dma_wait3A_489 = tpu.memref_slice %arg4[%add3A_436, %dma_wait3A_486, %mul3A_438] : memref<18432x1x768xf32, #tpu.memory_space<hbm>> -> memref<128x1x192xf32, #tpu.memory_space<hbm>>
    %dma_wait3A_490 = tpu.memref_squeeze %dma_wait3A_489 : memref<128x1x192xf32, #tpu.memory_space<hbm>> -> memref<128x192xf32, #tpu.memory_space<hbm>>
    tpu.wait_dma2 semaphore(%arg13 : memref<!tpu.dma_semaphore, #tpu.memory_space<semaphore_mem>>) src(%arg7 : memref<128x192xf32, #tpu.memory_space<vmem>>) dst(%dma_wait3A_490 : memref<128x192xf32, #tpu.memory_space<hbm>>)
    %dma_wait3A_491 = arith.constant 0 : i32
    %dma_wait3A_492 = tpu.memref_slice %arg4[%add3A_462, %dma_wait3A_491, %mul3A_464] : memref<18432x1x768xf32, #tpu.memory_space<hbm>> -> memref<128x1x192xf32, #tpu.memory_space<hbm>>
    %dma_wait3A_493 = tpu.memref_squeeze %dma_wait3A_492 : memref<128x1x192xf32, #tpu.memory_space<hbm>> -> memref<128x192xf32, #tpu.memory_space<hbm>>
    %dma_wait3A_494 = tpu.memref_slice %arg4[%add3A_462, %dma_wait3A_491, %mul3A_464] : memref<18432x1x768xf32, #tpu.memory_space<hbm>> -> memref<128x1x192xf32, #tpu.memory_space<hbm>>
    %dma_wait3A_495 = tpu.memref_squeeze %dma_wait3A_494 : memref<128x1x192xf32, #tpu.memory_space<hbm>> -> memref<128x192xf32, #tpu.memory_space<hbm>>
    tpu.wait_dma2 semaphore(%arg14 : memref<!tpu.dma_semaphore, #tpu.memory_space<semaphore_mem>>) src(%arg8 : memref<128x192xf32, #tpu.memory_space<vmem>>) dst(%dma_wait3A_495 : memref<128x192xf32, #tpu.memory_space<hbm>>)
    %dma_wait3A_496 = arith.constant 0 : i32
    %dma_wait3A_497 = tpu.memref_slice %arg4[%add3A_478, %dma_wait3A_496, %mul3A_480] : memref<18432x1x768xf32, #tpu.memory_space<hbm>> -> memref<128x1x192xf32, #tpu.memory_space<hbm>>
    %dma_wait3A_498 = tpu.memref_squeeze %dma_wait3A_497 : memref<128x1x192xf32, #tpu.memory_space<hbm>> -> memref<128x192xf32, #tpu.memory_space<hbm>>
    %dma_wait3A_499 = tpu.memref_slice %arg4[%add3A_478, %dma_wait3A_496, %mul3A_480] : memref<18432x1x768xf32, #tpu.memory_space<hbm>> -> memref<128x1x192xf32, #tpu.memory_space<hbm>>
    %dma_wait3A_500 = tpu.memref_squeeze %dma_wait3A_499 : memref<128x1x192xf32, #tpu.memory_space<hbm>> -> memref<128x192xf32, #tpu.memory_space<hbm>>
    tpu.wait_dma2 semaphore(%arg15 : memref<!tpu.dma_semaphore, #tpu.memory_space<semaphore_mem>>) src(%arg9 : memref<128x192xf32, #tpu.memory_space<vmem>>) dst(%dma_wait3A_500 : memref<128x192xf32, #tpu.memory_space<hbm>>)
    return
  }
}

module attributes {stable_mosaic.version = 14 : i64} {
  func.func @_tc_body(%arg0: i32, %arg1: memref<1024x768xf32, #tpu.memory_space<vmem>>, %arg2: memref<4x1024x192xf32, #tpu.memory_space<vmem>>, %arg3: memref<4x1x1024xi32, #tpu.memory_space<vmem>>, %arg4: memref<4x1x1024xi32, #tpu.memory_space<vmem>>, %arg5: memref<1x128xf32, #tpu.memory_space<vmem>>, %arg6: memref<4x1024x256xf32, #tpu.memory_space<vmem>>, %arg7: memref<1024x256xf32, #tpu.memory_space<vmem>>) attributes {dimension_semantics = [#tpu.dimension_semantics<arbitrary>], iteration_bounds = array<i64: 18>, scalar_prefetch = 0 : i64, scratch_operands = 2 : i64, tpu.core_type = #tpu.core_type<tc>, window_params = [{transform_indices = @transform_0, window_bounds = array<i64: 1024, 768>}, {pipeline_mode = #tpu.pipeline_mode<synchronous>, transform_indices = @transform_1, window_bounds = array<i64: 4, 1024, 192>}, {transform_indices = @transform_2, window_bounds = array<i64: 4, 1, 1024>}, {transform_indices = @transform_3, window_bounds = array<i64: 4, 1, 1024>}, {pipeline_mode = #tpu.pipeline_mode<synchronous>, transform_indices = @transform_4, window_bounds = array<i64: 1, 128>}]} {
    %eq3A = arith.constant 0 : i32
    %eq3A_0 = arith.cmpi eq, %arg0, %eq3A : i32
    %convert_element_type3A = arith.extui %eq3A_0 : i1 to i32
    %cond3A = arith.constant 0 : i32
    %cond3A_1 = arith.cmpi ne, %convert_element_type3A, %cond3A : i32
    scf.if %cond3A_1 {
      %iota3A = tpu.iota {dimensions = array<i32: 1>} : vector<192x64xi32>
      %eq3A_185 = arith.constant 0 : i32
      %eq3A_186 = vector.broadcast %eq3A_185 : i32 to vector<192x64xi32>
      %eq3A_187 = arith.cmpi eq, %iota3A, %eq3A_186 : vector<192x64xi32>
      %jit3A = arith.constant -5.000000e-01 : f32
      %jit3A_188 = arith.constant 0.000000e+00 : f32
      %broadcast_in_dim3A_189 = vector.broadcast %jit3A : f32 to vector<192x64xf32>
      %broadcast_in_dim3A_190 = vector.broadcast %jit3A_188 : f32 to vector<192x64xf32>
      %select_n3A = arith.select %eq3A_187, %broadcast_in_dim3A_189, %broadcast_in_dim3A_190 : vector<192x64xi1>, vector<192x64xf32>
      %convert_element_type3A_191 = arith.truncf %select_n3A : vector<192x64xf32> to vector<192x64xbf16>
      %get3A_192 = arith.constant 0 : index
      %get3A_193 = arith.constant 0 : index
      %get3A_194 = arith.constant 0 : index
      %get3A_195 = vector.load %arg2[%get3A_192, %get3A_193, %get3A_194] : memref<4x1024x192xf32, #tpu.memory_space<vmem>>, vector<1x1024x192xf32>
      %get3A_196 = vector.shape_cast %get3A_195 : vector<1x1024x192xf32> to vector<1024x192xf32>
      %mul3A_197 = arith.mulf %get3A_196, %get3A_196 : vector<1024x192xf32>
      %convert_element_type3A_198 = arith.truncf %mul3A_197 : vector<1024x192xf32> to vector<1024x192xbf16>
      %convert_element_type3A_199 = arith.extf %convert_element_type3A_198 : vector<1024x192xbf16> to vector<1024x192xf32>
      %sub3A = arith.subf %mul3A_197, %convert_element_type3A_199 : vector<1024x192xf32>
      %convert_element_type3A_200 = arith.truncf %sub3A : vector<1024x192xf32> to vector<1024x192xbf16>
      %convert_element_type3A_201 = arith.extf %convert_element_type3A_200 : vector<1024x192xbf16> to vector<1024x192xf32>
      %sub3A_202 = arith.subf %sub3A, %convert_element_type3A_201 : vector<1024x192xf32>
      %convert_element_type3A_203 = arith.truncf %sub3A_202 : vector<1024x192xf32> to vector<1024x192xbf16>
      %dot_general3A_204 = arith.constant dense<0.000000e+00> : vector<1024x64xf32>
      %dot_general3A_205 = tpu.matmul %convert_element_type3A_198, %convert_element_type3A_191, %dot_general3A_204 {dimension_numbers = #tpu.dot_dimension_numbers<[1], [0], [0], [1], [0, 0, 1, 1], [], []>, transpose_lhs_hint = false} : vector<1024x192xbf16>, vector<192x64xbf16>, vector<1024x64xf32> -> vector<1024x64xf32>
      %dot_general3A_206 = arith.constant dense<0.000000e+00> : vector<1024x64xf32>
      %dot_general3A_207 = tpu.matmul %convert_element_type3A_200, %convert_element_type3A_191, %dot_general3A_206 {dimension_numbers = #tpu.dot_dimension_numbers<[1], [0], [0], [1], [0, 0, 1, 1], [], []>, transpose_lhs_hint = false} : vector<1024x192xbf16>, vector<192x64xbf16>, vector<1024x64xf32> -> vector<1024x64xf32>
      %add3A_208 = arith.addf %dot_general3A_205, %dot_general3A_207 : vector<1024x64xf32>
      %dot_general3A_209 = arith.constant dense<0.000000e+00> : vector<1024x64xf32>
      %dot_general3A_210 = tpu.matmul %convert_element_type3A_203, %convert_element_type3A_191, %dot_general3A_209 {dimension_numbers = #tpu.dot_dimension_numbers<[1], [0], [0], [1], [0, 0, 1, 1], [], []>, transpose_lhs_hint = false} : vector<1024x192xbf16>, vector<192x64xbf16>, vector<1024x64xf32> -> vector<1024x64xf32>
      %add3A_211 = arith.addf %add3A_208, %dot_general3A_210 : vector<1024x64xf32>
      %convert_element_type3A_212 = arith.truncf %add3A_211 : vector<1024x64xf32> to vector<1024x64xbf16>
      %convert_element_type3A_213 = arith.extf %convert_element_type3A_212 : vector<1024x64xbf16> to vector<1024x64xf32>
      %sub3A_214 = arith.subf %add3A_211, %convert_element_type3A_213 : vector<1024x64xf32>
      %convert_element_type3A_215 = arith.truncf %sub3A_214 : vector<1024x64xf32> to vector<1024x64xbf16>
      %convert_element_type3A_216 = arith.extf %convert_element_type3A_215 : vector<1024x64xbf16> to vector<1024x64xf32>
      %sub3A_217 = arith.subf %sub3A_214, %convert_element_type3A_216 : vector<1024x64xf32>
      %convert_element_type3A_218 = arith.truncf %sub3A_217 : vector<1024x64xf32> to vector<1024x64xbf16>
      %convert_element_type3A_219 = arith.extf %convert_element_type3A_218 : vector<1024x64xbf16> to vector<1024x64xf32>
      %slice3A_220 = vector.extract_strided_slice %convert_element_type3A_216 {offsets = [0, 63], sizes = [1024, 1], strides = [1, 1]} : vector<1024x64xf32> to vector<1024x1xf32>
      %slice3A_221 = vector.extract_strided_slice %convert_element_type3A_216 {offsets = [0, 0], sizes = [1024, 63], strides = [1, 1]} : vector<1024x64xf32> to vector<1024x63xf32>
      %concatenate3A = tpu.concatenate %slice3A_220, %slice3A_221 in 1 : vector<1024x1xf32>, vector<1024x63xf32> -> vector<1024x64xf32>
      %add3A_222 = arith.addf %convert_element_type3A_213, %concatenate3A : vector<1024x64xf32>
      %slice3A_223 = vector.extract_strided_slice %convert_element_type3A_219 {offsets = [0, 62], sizes = [1024, 2], strides = [1, 1]} : vector<1024x64xf32> to vector<1024x2xf32>
      %slice3A_224 = vector.extract_strided_slice %convert_element_type3A_219 {offsets = [0, 0], sizes = [1024, 62], strides = [1, 1]} : vector<1024x64xf32> to vector<1024x62xf32>
      %concatenate3A_225 = tpu.concatenate %slice3A_223, %slice3A_224 in 1 : vector<1024x2xf32>, vector<1024x62xf32> -> vector<1024x64xf32>
      %add3A_226 = arith.addf %add3A_222, %concatenate3A_225 : vector<1024x64xf32>
      %swap3A_227 = arith.constant 0 : index
      %swap3A_228 = arith.constant 0 : index
      %swap3A_229 = arith.constant 0 : index
      %swap3A_230 = vector.load %arg6[%swap3A_227, %swap3A_228, %swap3A_229] : memref<4x1024x256xf32, #tpu.memory_space<vmem>>, vector<1x1024x192xf32>
      %swap3A_231 = vector.shape_cast %swap3A_230 : vector<1x1024x192xf32> to vector<1024x192xf32>
      %swap3A_232 = vector.shape_cast %get3A_196 : vector<1024x192xf32> to vector<1x1024x192xf32>
      tpu.vector_store %arg6[%swap3A_227, %swap3A_228, %swap3A_229], %swap3A_232 {strides = array<i32>} : memref<4x1024x256xf32, #tpu.memory_space<vmem>>, vector<1x1024x192xf32>,
      %swap3A_233 = arith.constant 0 : index
      %swap3A_234 = arith.constant 0 : index
      %swap3A_235 = arith.constant 192 : index
      %swap3A_236 = vector.load %arg6[%swap3A_233, %swap3A_234, %swap3A_235] : memref<4x1024x256xf32, #tpu.memory_space<vmem>>, vector<1x1024x64xf32>
      %swap3A_237 = vector.shape_cast %swap3A_236 : vector<1x1024x64xf32> to vector<1024x64xf32>
      %swap3A_238 = vector.shape_cast %add3A_226 : vector<1024x64xf32> to vector<1x1024x64xf32>
      tpu.vector_store %arg6[%swap3A_233, %swap3A_234, %swap3A_235], %swap3A_238 {strides = array<i32>} : memref<4x1024x256xf32, #tpu.memory_space<vmem>>, vector<1x1024x64xf32>,
      %get3A_239 = arith.constant 1 : index
      %get3A_240 = arith.constant 0 : index
      %get3A_241 = arith.constant 0 : index
      %get3A_242 = vector.load %arg2[%get3A_239, %get3A_240, %get3A_241] : memref<4x1024x192xf32, #tpu.memory_space<vmem>>, vector<1x1024x192xf32>
      %get3A_243 = vector.shape_cast %get3A_242 : vector<1x1024x192xf32> to vector<1024x192xf32>
      %mul3A_244 = arith.mulf %get3A_243, %get3A_243 : vector<1024x192xf32>
      %convert_element_type3A_245 = arith.truncf %mul3A_244 : vector<1024x192xf32> to vector<1024x192xbf16>
      %convert_element_type3A_246 = arith.extf %convert_element_type3A_245 : vector<1024x192xbf16> to vector<1024x192xf32>
      %sub3A_247 = arith.subf %mul3A_244, %convert_element_type3A_246 : vector<1024x192xf32>
      %convert_element_type3A_248 = arith.truncf %sub3A_247 : vector<1024x192xf32> to vector<1024x192xbf16>
      %convert_element_type3A_249 = arith.extf %convert_element_type3A_248 : vector<1024x192xbf16> to vector<1024x192xf32>
      %sub3A_250 = arith.subf %sub3A_247, %convert_element_type3A_249 : vector<1024x192xf32>
      %convert_element_type3A_251 = arith.truncf %sub3A_250 : vector<1024x192xf32> to vector<1024x192xbf16>
      %dot_general3A_252 = arith.constant dense<0.000000e+00> : vector<1024x64xf32>
      %dot_general3A_253 = tpu.matmul %convert_element_type3A_245, %convert_element_type3A_191, %dot_general3A_252 {dimension_numbers = #tpu.dot_dimension_numbers<[1], [0], [0], [1], [0, 0, 1, 1], [], []>, transpose_lhs_hint = false} : vector<1024x192xbf16>, vector<192x64xbf16>, vector<1024x64xf32> -> vector<1024x64xf32>
      %dot_general3A_254 = arith.constant dense<0.000000e+00> : vector<1024x64xf32>
      %dot_general3A_255 = tpu.matmul %convert_element_type3A_248, %convert_element_type3A_191, %dot_general3A_254 {dimension_numbers = #tpu.dot_dimension_numbers<[1], [0], [0], [1], [0, 0, 1, 1], [], []>, transpose_lhs_hint = false} : vector<1024x192xbf16>, vector<192x64xbf16>, vector<1024x64xf32> -> vector<1024x64xf32>
      %add3A_256 = arith.addf %dot_general3A_253, %dot_general3A_255 : vector<1024x64xf32>
      %dot_general3A_257 = arith.constant dense<0.000000e+00> : vector<1024x64xf32>
      %dot_general3A_258 = tpu.matmul %convert_element_type3A_251, %convert_element_type3A_191, %dot_general3A_257 {dimension_numbers = #tpu.dot_dimension_numbers<[1], [0], [0], [1], [0, 0, 1, 1], [], []>, transpose_lhs_hint = false} : vector<1024x192xbf16>, vector<192x64xbf16>, vector<1024x64xf32> -> vector<1024x64xf32>
      %add3A_259 = arith.addf %add3A_256, %dot_general3A_258 : vector<1024x64xf32>
      %convert_element_type3A_260 = arith.truncf %add3A_259 : vector<1024x64xf32> to vector<1024x64xbf16>
      %convert_element_type3A_261 = arith.extf %convert_element_type3A_260 : vector<1024x64xbf16> to vector<1024x64xf32>
      %sub3A_262 = arith.subf %add3A_259, %convert_element_type3A_261 : vector<1024x64xf32>
      %convert_element_type3A_263 = arith.truncf %sub3A_262 : vector<1024x64xf32> to vector<1024x64xbf16>
      %convert_element_type3A_264 = arith.extf %convert_element_type3A_263 : vector<1024x64xbf16> to vector<1024x64xf32>
      %sub3A_265 = arith.subf %sub3A_262, %convert_element_type3A_264 : vector<1024x64xf32>
      %convert_element_type3A_266 = arith.truncf %sub3A_265 : vector<1024x64xf32> to vector<1024x64xbf16>
      %convert_element_type3A_267 = arith.extf %convert_element_type3A_266 : vector<1024x64xbf16> to vector<1024x64xf32>
      %slice3A_268 = vector.extract_strided_slice %convert_element_type3A_264 {offsets = [0, 63], sizes = [1024, 1], strides = [1, 1]} : vector<1024x64xf32> to vector<1024x1xf32>
      %slice3A_269 = vector.extract_strided_slice %convert_element_type3A_264 {offsets = [0, 0], sizes = [1024, 63], strides = [1, 1]} : vector<1024x64xf32> to vector<1024x63xf32>
      %concatenate3A_270 = tpu.concatenate %slice3A_268, %slice3A_269 in 1 : vector<1024x1xf32>, vector<1024x63xf32> -> vector<1024x64xf32>
      %add3A_271 = arith.addf %convert_element_type3A_261, %concatenate3A_270 : vector<1024x64xf32>
      %slice3A_272 = vector.extract_strided_slice %convert_element_type3A_267 {offsets = [0, 62], sizes = [1024, 2], strides = [1, 1]} : vector<1024x64xf32> to vector<1024x2xf32>
      %slice3A_273 = vector.extract_strided_slice %convert_element_type3A_267 {offsets = [0, 0], sizes = [1024, 62], strides = [1, 1]} : vector<1024x64xf32> to vector<1024x62xf32>
      %concatenate3A_274 = tpu.concatenate %slice3A_272, %slice3A_273 in 1 : vector<1024x2xf32>, vector<1024x62xf32> -> vector<1024x64xf32>
      %add3A_275 = arith.addf %add3A_271, %concatenate3A_274 : vector<1024x64xf32>
      %swap3A_276 = arith.constant 1 : index
      %swap3A_277 = arith.constant 0 : index
      %swap3A_278 = arith.constant 0 : index
      %swap3A_279 = vector.load %arg6[%swap3A_276, %swap3A_277, %swap3A_278] : memref<4x1024x256xf32, #tpu.memory_space<vmem>>, vector<1x1024x192xf32>
      %swap3A_280 = vector.shape_cast %swap3A_279 : vector<1x1024x192xf32> to vector<1024x192xf32>
      %swap3A_281 = vector.shape_cast %get3A_243 : vector<1024x192xf32> to vector<1x1024x192xf32>
      tpu.vector_store %arg6[%swap3A_276, %swap3A_277, %swap3A_278], %swap3A_281 {strides = array<i32>} : memref<4x1024x256xf32, #tpu.memory_space<vmem>>, vector<1x1024x192xf32>,
      %swap3A_282 = arith.constant 1 : index
      %swap3A_283 = arith.constant 0 : index
      %swap3A_284 = arith.constant 192 : index
      %swap3A_285 = vector.load %arg6[%swap3A_282, %swap3A_283, %swap3A_284] : memref<4x1024x256xf32, #tpu.memory_space<vmem>>, vector<1x1024x64xf32>
      %swap3A_286 = vector.shape_cast %swap3A_285 : vector<1x1024x64xf32> to vector<1024x64xf32>
      %swap3A_287 = vector.shape_cast %add3A_275 : vector<1024x64xf32> to vector<1x1024x64xf32>
      tpu.vector_store %arg6[%swap3A_282, %swap3A_283, %swap3A_284], %swap3A_287 {strides = array<i32>} : memref<4x1024x256xf32, #tpu.memory_space<vmem>>, vector<1x1024x64xf32>,
      %get3A_288 = arith.constant 2 : index
      %get3A_289 = arith.constant 0 : index
      %get3A_290 = arith.constant 0 : index
      %get3A_291 = vector.load %arg2[%get3A_288, %get3A_289, %get3A_290] : memref<4x1024x192xf32, #tpu.memory_space<vmem>>, vector<1x1024x192xf32>
      %get3A_292 = vector.shape_cast %get3A_291 : vector<1x1024x192xf32> to vector<1024x192xf32>
      %mul3A_293 = arith.mulf %get3A_292, %get3A_292 : vector<1024x192xf32>
      %convert_element_type3A_294 = arith.truncf %mul3A_293 : vector<1024x192xf32> to vector<1024x192xbf16>
      %convert_element_type3A_295 = arith.extf %convert_element_type3A_294 : vector<1024x192xbf16> to vector<1024x192xf32>
      %sub3A_296 = arith.subf %mul3A_293, %convert_element_type3A_295 : vector<1024x192xf32>
      %convert_element_type3A_297 = arith.truncf %sub3A_296 : vector<1024x192xf32> to vector<1024x192xbf16>
      %convert_element_type3A_298 = arith.extf %convert_element_type3A_297 : vector<1024x192xbf16> to vector<1024x192xf32>
      %sub3A_299 = arith.subf %sub3A_296, %convert_element_type3A_298 : vector<1024x192xf32>
      %convert_element_type3A_300 = arith.truncf %sub3A_299 : vector<1024x192xf32> to vector<1024x192xbf16>
      %dot_general3A_301 = arith.constant dense<0.000000e+00> : vector<1024x64xf32>
      %dot_general3A_302 = tpu.matmul %convert_element_type3A_294, %convert_element_type3A_191, %dot_general3A_301 {dimension_numbers = #tpu.dot_dimension_numbers<[1], [0], [0], [1], [0, 0, 1, 1], [], []>, transpose_lhs_hint = false} : vector<1024x192xbf16>, vector<192x64xbf16>, vector<1024x64xf32> -> vector<1024x64xf32>
      %dot_general3A_303 = arith.constant dense<0.000000e+00> : vector<1024x64xf32>
      %dot_general3A_304 = tpu.matmul %convert_element_type3A_297, %convert_element_type3A_191, %dot_general3A_303 {dimension_numbers = #tpu.dot_dimension_numbers<[1], [0], [0], [1], [0, 0, 1, 1], [], []>, transpose_lhs_hint = false} : vector<1024x192xbf16>, vector<192x64xbf16>, vector<1024x64xf32> -> vector<1024x64xf32>
      %add3A_305 = arith.addf %dot_general3A_302, %dot_general3A_304 : vector<1024x64xf32>
      %dot_general3A_306 = arith.constant dense<0.000000e+00> : vector<1024x64xf32>
      %dot_general3A_307 = tpu.matmul %convert_element_type3A_300, %convert_element_type3A_191, %dot_general3A_306 {dimension_numbers = #tpu.dot_dimension_numbers<[1], [0], [0], [1], [0, 0, 1, 1], [], []>, transpose_lhs_hint = false} : vector<1024x192xbf16>, vector<192x64xbf16>, vector<1024x64xf32> -> vector<1024x64xf32>
      %add3A_308 = arith.addf %add3A_305, %dot_general3A_307 : vector<1024x64xf32>
      %convert_element_type3A_309 = arith.truncf %add3A_308 : vector<1024x64xf32> to vector<1024x64xbf16>
      %convert_element_type3A_310 = arith.extf %convert_element_type3A_309 : vector<1024x64xbf16> to vector<1024x64xf32>
      %sub3A_311 = arith.subf %add3A_308, %convert_element_type3A_310 : vector<1024x64xf32>
      %convert_element_type3A_312 = arith.truncf %sub3A_311 : vector<1024x64xf32> to vector<1024x64xbf16>
      %convert_element_type3A_313 = arith.extf %convert_element_type3A_312 : vector<1024x64xbf16> to vector<1024x64xf32>
      %sub3A_314 = arith.subf %sub3A_311, %convert_element_type3A_313 : vector<1024x64xf32>
      %convert_element_type3A_315 = arith.truncf %sub3A_314 : vector<1024x64xf32> to vector<1024x64xbf16>
      %convert_element_type3A_316 = arith.extf %convert_element_type3A_315 : vector<1024x64xbf16> to vector<1024x64xf32>
      %slice3A_317 = vector.extract_strided_slice %convert_element_type3A_313 {offsets = [0, 63], sizes = [1024, 1], strides = [1, 1]} : vector<1024x64xf32> to vector<1024x1xf32>
      %slice3A_318 = vector.extract_strided_slice %convert_element_type3A_313 {offsets = [0, 0], sizes = [1024, 63], strides = [1, 1]} : vector<1024x64xf32> to vector<1024x63xf32>
      %concatenate3A_319 = tpu.concatenate %slice3A_317, %slice3A_318 in 1 : vector<1024x1xf32>, vector<1024x63xf32> -> vector<1024x64xf32>
      %add3A_320 = arith.addf %convert_element_type3A_310, %concatenate3A_319 : vector<1024x64xf32>
      %slice3A_321 = vector.extract_strided_slice %convert_element_type3A_316 {offsets = [0, 62], sizes = [1024, 2], strides = [1, 1]} : vector<1024x64xf32> to vector<1024x2xf32>
      %slice3A_322 = vector.extract_strided_slice %convert_element_type3A_316 {offsets = [0, 0], sizes = [1024, 62], strides = [1, 1]} : vector<1024x64xf32> to vector<1024x62xf32>
      %concatenate3A_323 = tpu.concatenate %slice3A_321, %slice3A_322 in 1 : vector<1024x2xf32>, vector<1024x62xf32> -> vector<1024x64xf32>
      %add3A_324 = arith.addf %add3A_320, %concatenate3A_323 : vector<1024x64xf32>
      %swap3A_325 = arith.constant 2 : index
      %swap3A_326 = arith.constant 0 : index
      %swap3A_327 = arith.constant 0 : index
      %swap3A_328 = vector.load %arg6[%swap3A_325, %swap3A_326, %swap3A_327] : memref<4x1024x256xf32, #tpu.memory_space<vmem>>, vector<1x1024x192xf32>
      %swap3A_329 = vector.shape_cast %swap3A_328 : vector<1x1024x192xf32> to vector<1024x192xf32>
      %swap3A_330 = vector.shape_cast %get3A_292 : vector<1024x192xf32> to vector<1x1024x192xf32>
      tpu.vector_store %arg6[%swap3A_325, %swap3A_326, %swap3A_327], %swap3A_330 {strides = array<i32>} : memref<4x1024x256xf32, #tpu.memory_space<vmem>>, vector<1x1024x192xf32>,
      %swap3A_331 = arith.constant 2 : index
      %swap3A_332 = arith.constant 0 : index
      %swap3A_333 = arith.constant 192 : index
      %swap3A_334 = vector.load %arg6[%swap3A_331, %swap3A_332, %swap3A_333] : memref<4x1024x256xf32, #tpu.memory_space<vmem>>, vector<1x1024x64xf32>
      %swap3A_335 = vector.shape_cast %swap3A_334 : vector<1x1024x64xf32> to vector<1024x64xf32>
      %swap3A_336 = vector.shape_cast %add3A_324 : vector<1024x64xf32> to vector<1x1024x64xf32>
      tpu.vector_store %arg6[%swap3A_331, %swap3A_332, %swap3A_333], %swap3A_336 {strides = array<i32>} : memref<4x1024x256xf32, #tpu.memory_space<vmem>>, vector<1x1024x64xf32>,
      %get3A_337 = arith.constant 3 : index
      %get3A_338 = arith.constant 0 : index
      %get3A_339 = arith.constant 0 : index
      %get3A_340 = vector.load %arg2[%get3A_337, %get3A_338, %get3A_339] : memref<4x1024x192xf32, #tpu.memory_space<vmem>>, vector<1x1024x192xf32>
      %get3A_341 = vector.shape_cast %get3A_340 : vector<1x1024x192xf32> to vector<1024x192xf32>
      %mul3A_342 = arith.mulf %get3A_341, %get3A_341 : vector<1024x192xf32>
      %convert_element_type3A_343 = arith.truncf %mul3A_342 : vector<1024x192xf32> to vector<1024x192xbf16>
      %convert_element_type3A_344 = arith.extf %convert_element_type3A_343 : vector<1024x192xbf16> to vector<1024x192xf32>
      %sub3A_345 = arith.subf %mul3A_342, %convert_element_type3A_344 : vector<1024x192xf32>
      %convert_element_type3A_346 = arith.truncf %sub3A_345 : vector<1024x192xf32> to vector<1024x192xbf16>
      %convert_element_type3A_347 = arith.extf %convert_element_type3A_346 : vector<1024x192xbf16> to vector<1024x192xf32>
      %sub3A_348 = arith.subf %sub3A_345, %convert_element_type3A_347 : vector<1024x192xf32>
      %convert_element_type3A_349 = arith.truncf %sub3A_348 : vector<1024x192xf32> to vector<1024x192xbf16>
      %dot_general3A_350 = arith.constant dense<0.000000e+00> : vector<1024x64xf32>
      %dot_general3A_351 = tpu.matmul %convert_element_type3A_343, %convert_element_type3A_191, %dot_general3A_350 {dimension_numbers = #tpu.dot_dimension_numbers<[1], [0], [0], [1], [0, 0, 1, 1], [], []>, transpose_lhs_hint = false} : vector<1024x192xbf16>, vector<192x64xbf16>, vector<1024x64xf32> -> vector<1024x64xf32>
      %dot_general3A_352 = arith.constant dense<0.000000e+00> : vector<1024x64xf32>
      %dot_general3A_353 = tpu.matmul %convert_element_type3A_346, %convert_element_type3A_191, %dot_general3A_352 {dimension_numbers = #tpu.dot_dimension_numbers<[1], [0], [0], [1], [0, 0, 1, 1], [], []>, transpose_lhs_hint = false} : vector<1024x192xbf16>, vector<192x64xbf16>, vector<1024x64xf32> -> vector<1024x64xf32>
      %add3A_354 = arith.addf %dot_general3A_351, %dot_general3A_353 : vector<1024x64xf32>
      %dot_general3A_355 = arith.constant dense<0.000000e+00> : vector<1024x64xf32>
      %dot_general3A_356 = tpu.matmul %convert_element_type3A_349, %convert_element_type3A_191, %dot_general3A_355 {dimension_numbers = #tpu.dot_dimension_numbers<[1], [0], [0], [1], [0, 0, 1, 1], [], []>, transpose_lhs_hint = false} : vector<1024x192xbf16>, vector<192x64xbf16>, vector<1024x64xf32> -> vector<1024x64xf32>
      %add3A_357 = arith.addf %add3A_354, %dot_general3A_356 : vector<1024x64xf32>
      %convert_element_type3A_358 = arith.truncf %add3A_357 : vector<1024x64xf32> to vector<1024x64xbf16>
      %convert_element_type3A_359 = arith.extf %convert_element_type3A_358 : vector<1024x64xbf16> to vector<1024x64xf32>
      %sub3A_360 = arith.subf %add3A_357, %convert_element_type3A_359 : vector<1024x64xf32>
      %convert_element_type3A_361 = arith.truncf %sub3A_360 : vector<1024x64xf32> to vector<1024x64xbf16>
      %convert_element_type3A_362 = arith.extf %convert_element_type3A_361 : vector<1024x64xbf16> to vector<1024x64xf32>
      %sub3A_363 = arith.subf %sub3A_360, %convert_element_type3A_362 : vector<1024x64xf32>
      %convert_element_type3A_364 = arith.truncf %sub3A_363 : vector<1024x64xf32> to vector<1024x64xbf16>
      %convert_element_type3A_365 = arith.extf %convert_element_type3A_364 : vector<1024x64xbf16> to vector<1024x64xf32>
      %slice3A_366 = vector.extract_strided_slice %convert_element_type3A_362 {offsets = [0, 63], sizes = [1024, 1], strides = [1, 1]} : vector<1024x64xf32> to vector<1024x1xf32>
      %slice3A_367 = vector.extract_strided_slice %convert_element_type3A_362 {offsets = [0, 0], sizes = [1024, 63], strides = [1, 1]} : vector<1024x64xf32> to vector<1024x63xf32>
      %concatenate3A_368 = tpu.concatenate %slice3A_366, %slice3A_367 in 1 : vector<1024x1xf32>, vector<1024x63xf32> -> vector<1024x64xf32>
      %add3A_369 = arith.addf %convert_element_type3A_359, %concatenate3A_368 : vector<1024x64xf32>
      %slice3A_370 = vector.extract_strided_slice %convert_element_type3A_365 {offsets = [0, 62], sizes = [1024, 2], strides = [1, 1]} : vector<1024x64xf32> to vector<1024x2xf32>
      %slice3A_371 = vector.extract_strided_slice %convert_element_type3A_365 {offsets = [0, 0], sizes = [1024, 62], strides = [1, 1]} : vector<1024x64xf32> to vector<1024x62xf32>
      %concatenate3A_372 = tpu.concatenate %slice3A_370, %slice3A_371 in 1 : vector<1024x2xf32>, vector<1024x62xf32> -> vector<1024x64xf32>
      %add3A_373 = arith.addf %add3A_369, %concatenate3A_372 : vector<1024x64xf32>
      %swap3A_374 = arith.constant 3 : index
      %swap3A_375 = arith.constant 0 : index
      %swap3A_376 = arith.constant 0 : index
      %swap3A_377 = vector.load %arg6[%swap3A_374, %swap3A_375, %swap3A_376] : memref<4x1024x256xf32, #tpu.memory_space<vmem>>, vector<1x1024x192xf32>
      %swap3A_378 = vector.shape_cast %swap3A_377 : vector<1x1024x192xf32> to vector<1024x192xf32>
      %swap3A_379 = vector.shape_cast %get3A_341 : vector<1024x192xf32> to vector<1x1024x192xf32>
      tpu.vector_store %arg6[%swap3A_374, %swap3A_375, %swap3A_376], %swap3A_379 {strides = array<i32>} : memref<4x1024x256xf32, #tpu.memory_space<vmem>>, vector<1x1024x192xf32>,
      %swap3A_380 = arith.constant 3 : index
      %swap3A_381 = arith.constant 0 : index
      %swap3A_382 = arith.constant 192 : index
      %swap3A_383 = vector.load %arg6[%swap3A_380, %swap3A_381, %swap3A_382] : memref<4x1024x256xf32, #tpu.memory_space<vmem>>, vector<1x1024x64xf32>
      %swap3A_384 = vector.shape_cast %swap3A_383 : vector<1x1024x64xf32> to vector<1024x64xf32>
      %swap3A_385 = vector.shape_cast %add3A_373 : vector<1024x64xf32> to vector<1x1024x64xf32>
      tpu.vector_store %arg6[%swap3A_380, %swap3A_381, %swap3A_382], %swap3A_385 {strides = array<i32>} : memref<4x1024x256xf32, #tpu.memory_space<vmem>>, vector<1x1024x64xf32>,
      %iota3A_386 = tpu.iota {dimensions = array<i32: 1>} : vector<1024x64xi32>
      %lt3A = arith.constant 3 : i32
      %lt3A_387 = vector.broadcast %lt3A : i32 to vector<1024x64xi32>
      %lt3A_388 = arith.cmpi slt, %iota3A_386, %lt3A_387 : vector<1024x64xi32>
      %jit3A_389 = arith.constant 1.000000e+00 : f32
      %jit3A_390 = arith.constant 0.000000e+00 : f32
      %broadcast_in_dim3A_391 = vector.broadcast %jit3A_389 : f32 to vector<1024x64xf32>
      %broadcast_in_dim3A_392 = vector.broadcast %jit3A_390 : f32 to vector<1024x64xf32>
      %select_n3A_393 = arith.select %lt3A_388, %broadcast_in_dim3A_391, %broadcast_in_dim3A_392 : vector<1024x64xi1>, vector<1024x64xf32>
      %swap3A_394 = arith.constant 0 : index
      %swap3A_395 = arith.constant 192 : index
      %swap3A_396 = vector.load %arg7[%swap3A_394, %swap3A_395] : memref<1024x256xf32, #tpu.memory_space<vmem>>, vector<1024x64xf32>
      tpu.vector_store %arg7[%swap3A_394, %swap3A_395], %select_n3A_393 {strides = array<i32>} : memref<1024x256xf32, #tpu.memory_space<vmem>>, vector<1024x64xf32>,
      %broadcast_in_dim3A_397 = arith.constant 0.000000e+00 : f32
      %broadcast_in_dim3A_398 = vector.broadcast %broadcast_in_dim3A_397 : f32 to vector<128xf32>
      %swap3A_399 = arith.constant 0 : index
      %swap3A_400 = arith.constant 0 : index
      %swap3A_401 = vector.load %arg5[%swap3A_399, %swap3A_400] : memref<1x128xf32, #tpu.memory_space<vmem>>, vector<1x128xf32>
      %swap3A_402 = vector.shape_cast %swap3A_401 : vector<1x128xf32> to vector<128xf32>
      %swap3A_403 = vector.shape_cast %broadcast_in_dim3A_398 : vector<128xf32> to vector<1x128xf32>
      tpu.vector_store %arg5[%swap3A_399, %swap3A_400], %swap3A_403 {strides = array<i32>} : memref<1x128xf32, #tpu.memory_space<vmem>>, vector<1x128xf32>,
    } else {
    }
    %get3A = arith.constant 0 : index
    %get3A_2 = arith.constant 0 : index
    %get3A_3 = vector.load %arg1[%get3A, %get3A_2] : memref<1024x768xf32, #tpu.memory_space<vmem>>, vector<1024x768xf32>
    %broadcast_in_dim3A = arith.constant 1.000000e+00 : f32
    %broadcast_in_dim3A_4 = vector.broadcast %broadcast_in_dim3A : f32 to vector<8x1024xf32>
    %mul3A = arith.mulf %get3A_3, %get3A_3 : vector<1024x768xf32>
    %dot_general3A = arith.constant dense<0.000000e+00> : vector<8x768xf32>
    %dot_general3A_5 = tpu.matmul %broadcast_in_dim3A_4, %mul3A, %dot_general3A {dimension_numbers = #tpu.dot_dimension_numbers<[1], [0], [0], [1], [0, 0, 1, 1], [], []>, transpose_lhs_hint = false} : vector<8x1024xf32>, vector<1024x768xf32>, vector<8x768xf32> -> vector<8x768xf32>
    %slice3A = vector.extract_strided_slice %dot_general3A_5 {offsets = [0, 0], sizes = [1, 768], strides = [1, 1]} : vector<8x768xf32> to vector<1x768xf32>
    %squeeze3A = vector.shape_cast %slice3A : vector<1x768xf32> to vector<768xf32>
    %reduce_sum3A = vector.shape_cast %squeeze3A : vector<768xf32> to vector<1x768xf32>
    %reduce_sum3A_6 = arith.constant dense<0.000000e+00> : vector<1xf32>
    %reduce_sum3A_7 = vector.multi_reduction <add>, %reduce_sum3A, %reduce_sum3A_6 [1] : vector<1x768xf32> to vector<1xf32>
    %reduce_sum3A_8 = vector.shape_cast %reduce_sum3A_7 : vector<1xf32> to vector<1x1xf32>
    %reduce_sum3A_9 = vector.extract %reduce_sum3A_8[0, 0] : f32 from vector<1x1xf32>
    %get3A_10 = arith.constant 0 : index
    %get3A_11 = arith.constant 0 : index
    %get3A_12 = vector.load %arg1[%get3A_10, %get3A_11] : memref<1024x768xf32, #tpu.memory_space<vmem>>, vector<1024x192xf32>
    %swap3A = arith.constant 0 : index
    %swap3A_13 = arith.constant 0 : index
    %swap3A_14 = vector.load %arg7[%swap3A, %swap3A_13] : memref<1024x256xf32, #tpu.memory_space<vmem>>, vector<1024x192xf32>
    tpu.vector_store %arg7[%swap3A, %swap3A_13], %get3A_12 {strides = array<i32>} : memref<1024x256xf32, #tpu.memory_space<vmem>>, vector<1024x192xf32>,
    %get3A_15 = arith.constant 0 : index
    %get3A_16 = arith.constant 0 : index
    %get3A_17 = arith.constant 0 : index
    %get3A_18 = vector.load %arg6[%get3A_15, %get3A_16, %get3A_17] : memref<4x1024x256xf32, #tpu.memory_space<vmem>>, vector<1x1024x256xf32>
    %get3A_19 = vector.shape_cast %get3A_18 : vector<1x1024x256xf32> to vector<1024x256xf32>
    %get3A_20 = arith.constant 0 : index
    %get3A_21 = arith.constant 0 : index
    %get3A_22 = vector.load %arg7[%get3A_20, %get3A_21] : memref<1024x256xf32, #tpu.memory_space<vmem>>, vector<1024x256xf32>
    %dot_general3A_23 = arith.constant dense<0.000000e+00> : vector<1024x1024xf32>
    %dot_general3A_24 = tpu.matmul %get3A_19, %get3A_22, %dot_general3A_23 {dimension_numbers = #tpu.dot_dimension_numbers<[1], [1], [0], [0], [0, 0, 1, 0], [], []>, transpose_lhs_hint = false} : vector<1024x256xf32>, vector<1024x256xf32>, vector<1024x1024xf32> -> vector<1024x1024xf32>
    %reduce_max3A = arith.constant dense<0xFF800000> : vector<1024xf32>
    %reduce_max3A_25 = vector.multi_reduction <maximumf>, %dot_general3A_24, %reduce_max3A [0] : vector<1024x1024xf32> to vector<1024xf32>
    %argmax3A = tpu.reduce_index %dot_general3A_24 {axis = 0 : i32, kind = #tpu.reduction_kind<arg_max>} : vector<1024x1024xf32> -> vector<1024xi32>
    %reduce_sum3A_26 = vector.shape_cast %reduce_max3A_25 : vector<1024xf32> to vector<1x1024xf32>
    %reduce_sum3A_27 = arith.constant dense<0.000000e+00> : vector<1xf32>
    %reduce_sum3A_28 = vector.multi_reduction <add>, %reduce_sum3A_26, %reduce_sum3A_27 [1] : vector<1x1024xf32> to vector<1xf32>
    %reduce_sum3A_29 = vector.shape_cast %reduce_sum3A_28 : vector<1xf32> to vector<1x1xf32>
    %reduce_sum3A_30 = vector.extract %reduce_sum3A_29[0, 0] : f32 from vector<1x1xf32>
    %mul3A_31 = arith.constant -2.000000e+00 : f32
    %mul3A_32 = arith.mulf %mul3A_31, %reduce_sum3A_30 : f32
    %add3A = arith.addf %reduce_sum3A_9, %mul3A_32 : f32
    %swap3A_33 = arith.constant 0 : index
    %swap3A_34 = arith.constant 0 : index
    %swap3A_35 = arith.constant 0 : index
    %swap3A_36 = vector.load %arg3[%swap3A_33, %swap3A_34, %swap3A_35] : memref<4x1x1024xi32, #tpu.memory_space<vmem>>, vector<1x1x1024xi32>
    %swap3A_37 = vector.shape_cast %swap3A_36 : vector<1x1x1024xi32> to vector<1024xi32>
    %swap3A_38 = vector.shape_cast %argmax3A : vector<1024xi32> to vector<1x1x1024xi32>
    tpu.vector_store %arg3[%swap3A_33, %swap3A_34, %swap3A_35], %swap3A_38 {strides = array<i32>} : memref<4x1x1024xi32, #tpu.memory_space<vmem>>, vector<1x1x1024xi32>,
    %add3A_39 = arith.constant 0 : i32
    %add3A_40 = vector.broadcast %add3A_39 : i32 to vector<1024xi32>
    %add3A_41 = arith.addi %argmax3A, %add3A_40 : vector<1024xi32>
    %swap3A_42 = arith.constant 0 : index
    %swap3A_43 = arith.constant 0 : index
    %swap3A_44 = arith.constant 0 : index
    %swap3A_45 = vector.load %arg4[%swap3A_42, %swap3A_43, %swap3A_44] : memref<4x1x1024xi32, #tpu.memory_space<vmem>>, vector<1x1x1024xi32>
    %swap3A_46 = vector.shape_cast %swap3A_45 : vector<1x1x1024xi32> to vector<1024xi32>
    %swap3A_47 = vector.shape_cast %add3A_41 : vector<1024xi32> to vector<1x1x1024xi32>
    tpu.vector_store %arg4[%swap3A_42, %swap3A_43, %swap3A_44], %swap3A_47 {strides = array<i32>} : memref<4x1x1024xi32, #tpu.memory_space<vmem>>, vector<1x1x1024xi32>,
    %get3A_48 = arith.constant 0 : index
    %get3A_49 = arith.constant 192 : index
    %get3A_50 = vector.load %arg1[%get3A_48, %get3A_49] : memref<1024x768xf32, #tpu.memory_space<vmem>>, vector<1024x192xf32>
    %swap3A_51 = arith.constant 0 : index
    %swap3A_52 = arith.constant 0 : index
    %swap3A_53 = vector.load %arg7[%swap3A_51, %swap3A_52] : memref<1024x256xf32, #tpu.memory_space<vmem>>, vector<1024x192xf32>
    tpu.vector_store %arg7[%swap3A_51, %swap3A_52], %get3A_50 {strides = array<i32>} : memref<1024x256xf32, #tpu.memory_space<vmem>>, vector<1024x192xf32>,
    %get3A_54 = arith.constant 1 : index
    %get3A_55 = arith.constant 0 : index
    %get3A_56 = arith.constant 0 : index
    %get3A_57 = vector.load %arg6[%get3A_54, %get3A_55, %get3A_56] : memref<4x1024x256xf32, #tpu.memory_space<vmem>>, vector<1x1024x256xf32>
    %get3A_58 = vector.shape_cast %get3A_57 : vector<1x1024x256xf32> to vector<1024x256xf32>
    %get3A_59 = arith.constant 0 : index
    %get3A_60 = arith.constant 0 : index
    %get3A_61 = vector.load %arg7[%get3A_59, %get3A_60] : memref<1024x256xf32, #tpu.memory_space<vmem>>, vector<1024x256xf32>
    %dot_general3A_62 = arith.constant dense<0.000000e+00> : vector<1024x1024xf32>
    %dot_general3A_63 = tpu.matmul %get3A_58, %get3A_61, %dot_general3A_62 {dimension_numbers = #tpu.dot_dimension_numbers<[1], [1], [0], [0], [0, 0, 1, 0], [], []>, transpose_lhs_hint = false} : vector<1024x256xf32>, vector<1024x256xf32>, vector<1024x1024xf32> -> vector<1024x1024xf32>
    %reduce_max3A_64 = arith.constant dense<0xFF800000> : vector<1024xf32>
    %reduce_max3A_65 = vector.multi_reduction <maximumf>, %dot_general3A_63, %reduce_max3A_64 [0] : vector<1024x1024xf32> to vector<1024xf32>
    %argmax3A_66 = tpu.reduce_index %dot_general3A_63 {axis = 0 : i32, kind = #tpu.reduction_kind<arg_max>} : vector<1024x1024xf32> -> vector<1024xi32>
    %reduce_sum3A_67 = vector.shape_cast %reduce_max3A_65 : vector<1024xf32> to vector<1x1024xf32>
    %reduce_sum3A_68 = arith.constant dense<0.000000e+00> : vector<1xf32>
    %reduce_sum3A_69 = vector.multi_reduction <add>, %reduce_sum3A_67, %reduce_sum3A_68 [1] : vector<1x1024xf32> to vector<1xf32>
    %reduce_sum3A_70 = vector.shape_cast %reduce_sum3A_69 : vector<1xf32> to vector<1x1xf32>
    %reduce_sum3A_71 = vector.extract %reduce_sum3A_70[0, 0] : f32 from vector<1x1xf32>
    %mul3A_72 = arith.constant -2.000000e+00 : f32
    %mul3A_73 = arith.mulf %mul3A_72, %reduce_sum3A_71 : f32
    %add3A_74 = arith.addf %add3A, %mul3A_73 : f32
    %swap3A_75 = arith.constant 1 : index
    %swap3A_76 = arith.constant 0 : index
    %swap3A_77 = arith.constant 0 : index
    %swap3A_78 = vector.load %arg3[%swap3A_75, %swap3A_76, %swap3A_77] : memref<4x1x1024xi32, #tpu.memory_space<vmem>>, vector<1x1x1024xi32>
    %swap3A_79 = vector.shape_cast %swap3A_78 : vector<1x1x1024xi32> to vector<1024xi32>
    %swap3A_80 = vector.shape_cast %argmax3A_66 : vector<1024xi32> to vector<1x1x1024xi32>
    tpu.vector_store %arg3[%swap3A_75, %swap3A_76, %swap3A_77], %swap3A_80 {strides = array<i32>} : memref<4x1x1024xi32, #tpu.memory_space<vmem>>, vector<1x1x1024xi32>,
    %add3A_81 = arith.constant 1024 : i32
    %add3A_82 = vector.broadcast %add3A_81 : i32 to vector<1024xi32>
    %add3A_83 = arith.addi %argmax3A_66, %add3A_82 : vector<1024xi32>
    %swap3A_84 = arith.constant 1 : index
    %swap3A_85 = arith.constant 0 : index
    %swap3A_86 = arith.constant 0 : index
    %swap3A_87 = vector.load %arg4[%swap3A_84, %swap3A_85, %swap3A_86] : memref<4x1x1024xi32, #tpu.memory_space<vmem>>, vector<1x1x1024xi32>
    %swap3A_88 = vector.shape_cast %swap3A_87 : vector<1x1x1024xi32> to vector<1024xi32>
    %swap3A_89 = vector.shape_cast %add3A_83 : vector<1024xi32> to vector<1x1x1024xi32>
    tpu.vector_store %arg4[%swap3A_84, %swap3A_85, %swap3A_86], %swap3A_89 {strides = array<i32>} : memref<4x1x1024xi32, #tpu.memory_space<vmem>>, vector<1x1x1024xi32>,
    %get3A_90 = arith.constant 0 : index
    %get3A_91 = arith.constant 384 : index
    %get3A_92 = vector.load %arg1[%get3A_90, %get3A_91] : memref<1024x768xf32, #tpu.memory_space<vmem>>, vector<1024x192xf32>
    %swap3A_93 = arith.constant 0 : index
    %swap3A_94 = arith.constant 0 : index
    %swap3A_95 = vector.load %arg7[%swap3A_93, %swap3A_94] : memref<1024x256xf32, #tpu.memory_space<vmem>>, vector<1024x192xf32>
    tpu.vector_store %arg7[%swap3A_93, %swap3A_94], %get3A_92 {strides = array<i32>} : memref<1024x256xf32, #tpu.memory_space<vmem>>, vector<1024x192xf32>,
    %get3A_96 = arith.constant 2 : index
    %get3A_97 = arith.constant 0 : index
    %get3A_98 = arith.constant 0 : index
    %get3A_99 = vector.load %arg6[%get3A_96, %get3A_97, %get3A_98] : memref<4x1024x256xf32, #tpu.memory_space<vmem>>, vector<1x1024x256xf32>
    %get3A_100 = vector.shape_cast %get3A_99 : vector<1x1024x256xf32> to vector<1024x256xf32>
    %get3A_101 = arith.constant 0 : index
    %get3A_102 = arith.constant 0 : index
    %get3A_103 = vector.load %arg7[%get3A_101, %get3A_102] : memref<1024x256xf32, #tpu.memory_space<vmem>>, vector<1024x256xf32>
    %dot_general3A_104 = arith.constant dense<0.000000e+00> : vector<1024x1024xf32>
    %dot_general3A_105 = tpu.matmul %get3A_100, %get3A_103, %dot_general3A_104 {dimension_numbers = #tpu.dot_dimension_numbers<[1], [1], [0], [0], [0, 0, 1, 0], [], []>, transpose_lhs_hint = false} : vector<1024x256xf32>, vector<1024x256xf32>, vector<1024x1024xf32> -> vector<1024x1024xf32>
    %reduce_max3A_106 = arith.constant dense<0xFF800000> : vector<1024xf32>
    %reduce_max3A_107 = vector.multi_reduction <maximumf>, %dot_general3A_105, %reduce_max3A_106 [0] : vector<1024x1024xf32> to vector<1024xf32>
    %argmax3A_108 = tpu.reduce_index %dot_general3A_105 {axis = 0 : i32, kind = #tpu.reduction_kind<arg_max>} : vector<1024x1024xf32> -> vector<1024xi32>
    %reduce_sum3A_109 = vector.shape_cast %reduce_max3A_107 : vector<1024xf32> to vector<1x1024xf32>
    %reduce_sum3A_110 = arith.constant dense<0.000000e+00> : vector<1xf32>
    %reduce_sum3A_111 = vector.multi_reduction <add>, %reduce_sum3A_109, %reduce_sum3A_110 [1] : vector<1x1024xf32> to vector<1xf32>
    %reduce_sum3A_112 = vector.shape_cast %reduce_sum3A_111 : vector<1xf32> to vector<1x1xf32>
    %reduce_sum3A_113 = vector.extract %reduce_sum3A_112[0, 0] : f32 from vector<1x1xf32>
    %mul3A_114 = arith.constant -2.000000e+00 : f32
    %mul3A_115 = arith.mulf %mul3A_114, %reduce_sum3A_113 : f32
    %add3A_116 = arith.addf %add3A_74, %mul3A_115 : f32
    %swap3A_117 = arith.constant 2 : index
    %swap3A_118 = arith.constant 0 : index
    %swap3A_119 = arith.constant 0 : index
    %swap3A_120 = vector.load %arg3[%swap3A_117, %swap3A_118, %swap3A_119] : memref<4x1x1024xi32, #tpu.memory_space<vmem>>, vector<1x1x1024xi32>
    %swap3A_121 = vector.shape_cast %swap3A_120 : vector<1x1x1024xi32> to vector<1024xi32>
    %swap3A_122 = vector.shape_cast %argmax3A_108 : vector<1024xi32> to vector<1x1x1024xi32>
    tpu.vector_store %arg3[%swap3A_117, %swap3A_118, %swap3A_119], %swap3A_122 {strides = array<i32>} : memref<4x1x1024xi32, #tpu.memory_space<vmem>>, vector<1x1x1024xi32>,
    %add3A_123 = arith.constant 2048 : i32
    %add3A_124 = vector.broadcast %add3A_123 : i32 to vector<1024xi32>
    %add3A_125 = arith.addi %argmax3A_108, %add3A_124 : vector<1024xi32>
    %swap3A_126 = arith.constant 2 : index
    %swap3A_127 = arith.constant 0 : index
    %swap3A_128 = arith.constant 0 : index
    %swap3A_129 = vector.load %arg4[%swap3A_126, %swap3A_127, %swap3A_128] : memref<4x1x1024xi32, #tpu.memory_space<vmem>>, vector<1x1x1024xi32>
    %swap3A_130 = vector.shape_cast %swap3A_129 : vector<1x1x1024xi32> to vector<1024xi32>
    %swap3A_131 = vector.shape_cast %add3A_125 : vector<1024xi32> to vector<1x1x1024xi32>
    tpu.vector_store %arg4[%swap3A_126, %swap3A_127, %swap3A_128], %swap3A_131 {strides = array<i32>} : memref<4x1x1024xi32, #tpu.memory_space<vmem>>, vector<1x1x1024xi32>,
    %get3A_132 = arith.constant 0 : index
    %get3A_133 = arith.constant 576 : index
    %get3A_134 = vector.load %arg1[%get3A_132, %get3A_133] : memref<1024x768xf32, #tpu.memory_space<vmem>>, vector<1024x192xf32>
    %swap3A_135 = arith.constant 0 : index
    %swap3A_136 = arith.constant 0 : index
    %swap3A_137 = vector.load %arg7[%swap3A_135, %swap3A_136] : memref<1024x256xf32, #tpu.memory_space<vmem>>, vector<1024x192xf32>
    tpu.vector_store %arg7[%swap3A_135, %swap3A_136], %get3A_134 {strides = array<i32>} : memref<1024x256xf32, #tpu.memory_space<vmem>>, vector<1024x192xf32>,
    %get3A_138 = arith.constant 3 : index
    %get3A_139 = arith.constant 0 : index
    %get3A_140 = arith.constant 0 : index
    %get3A_141 = vector.load %arg6[%get3A_138, %get3A_139, %get3A_140] : memref<4x1024x256xf32, #tpu.memory_space<vmem>>, vector<1x1024x256xf32>
    %get3A_142 = vector.shape_cast %get3A_141 : vector<1x1024x256xf32> to vector<1024x256xf32>
    %get3A_143 = arith.constant 0 : index
    %get3A_144 = arith.constant 0 : index
    %get3A_145 = vector.load %arg7[%get3A_143, %get3A_144] : memref<1024x256xf32, #tpu.memory_space<vmem>>, vector<1024x256xf32>
    %dot_general3A_146 = arith.constant dense<0.000000e+00> : vector<1024x1024xf32>
    %dot_general3A_147 = tpu.matmul %get3A_142, %get3A_145, %dot_general3A_146 {dimension_numbers = #tpu.dot_dimension_numbers<[1], [1], [0], [0], [0, 0, 1, 0], [], []>, transpose_lhs_hint = false} : vector<1024x256xf32>, vector<1024x256xf32>, vector<1024x1024xf32> -> vector<1024x1024xf32>
    %reduce_max3A_148 = arith.constant dense<0xFF800000> : vector<1024xf32>
    %reduce_max3A_149 = vector.multi_reduction <maximumf>, %dot_general3A_147, %reduce_max3A_148 [0] : vector<1024x1024xf32> to vector<1024xf32>
    %argmax3A_150 = tpu.reduce_index %dot_general3A_147 {axis = 0 : i32, kind = #tpu.reduction_kind<arg_max>} : vector<1024x1024xf32> -> vector<1024xi32>
    %reduce_sum3A_151 = vector.shape_cast %reduce_max3A_149 : vector<1024xf32> to vector<1x1024xf32>
    %reduce_sum3A_152 = arith.constant dense<0.000000e+00> : vector<1xf32>
    %reduce_sum3A_153 = vector.multi_reduction <add>, %reduce_sum3A_151, %reduce_sum3A_152 [1] : vector<1x1024xf32> to vector<1xf32>
    %reduce_sum3A_154 = vector.shape_cast %reduce_sum3A_153 : vector<1xf32> to vector<1x1xf32>
    %reduce_sum3A_155 = vector.extract %reduce_sum3A_154[0, 0] : f32 from vector<1x1xf32>
    %mul3A_156 = arith.constant -2.000000e+00 : f32
    %mul3A_157 = arith.mulf %mul3A_156, %reduce_sum3A_155 : f32
    %add3A_158 = arith.addf %add3A_116, %mul3A_157 : f32
    %swap3A_159 = arith.constant 3 : index
    %swap3A_160 = arith.constant 0 : index
    %swap3A_161 = arith.constant 0 : index
    %swap3A_162 = vector.load %arg3[%swap3A_159, %swap3A_160, %swap3A_161] : memref<4x1x1024xi32, #tpu.memory_space<vmem>>, vector<1x1x1024xi32>
    %swap3A_163 = vector.shape_cast %swap3A_162 : vector<1x1x1024xi32> to vector<1024xi32>
    %swap3A_164 = vector.shape_cast %argmax3A_150 : vector<1024xi32> to vector<1x1x1024xi32>
    tpu.vector_store %arg3[%swap3A_159, %swap3A_160, %swap3A_161], %swap3A_164 {strides = array<i32>} : memref<4x1x1024xi32, #tpu.memory_space<vmem>>, vector<1x1x1024xi32>,
    %add3A_165 = arith.constant 3072 : i32
    %add3A_166 = vector.broadcast %add3A_165 : i32 to vector<1024xi32>
    %add3A_167 = arith.addi %argmax3A_150, %add3A_166 : vector<1024xi32>
    %swap3A_168 = arith.constant 3 : index
    %swap3A_169 = arith.constant 0 : index
    %swap3A_170 = arith.constant 0 : index
    %swap3A_171 = vector.load %arg4[%swap3A_168, %swap3A_169, %swap3A_170] : memref<4x1x1024xi32, #tpu.memory_space<vmem>>, vector<1x1x1024xi32>
    %swap3A_172 = vector.shape_cast %swap3A_171 : vector<1x1x1024xi32> to vector<1024xi32>
    %swap3A_173 = vector.shape_cast %add3A_167 : vector<1024xi32> to vector<1x1x1024xi32>
    tpu.vector_store %arg4[%swap3A_168, %swap3A_169, %swap3A_170], %swap3A_173 {strides = array<i32>} : memref<4x1x1024xi32, #tpu.memory_space<vmem>>, vector<1x1x1024xi32>,
    %get3A_174 = arith.constant 0 : index
    %get3A_175 = arith.constant 0 : index
    %get3A_176 = vector.load %arg5[%get3A_174, %get3A_175] : memref<1x128xf32, #tpu.memory_space<vmem>>, vector<1x128xf32>
    %get3A_177 = vector.shape_cast %get3A_176 : vector<1x128xf32> to vector<128xf32>
    %broadcast_in_dim3A_178 = vector.broadcast %add3A_158 : f32 to vector<128xf32>
    %add3A_179 = arith.addf %get3A_177, %broadcast_in_dim3A_178 : vector<128xf32>
    %swap3A_180 = arith.constant 0 : index
    %swap3A_181 = arith.constant 0 : index
    %swap3A_182 = vector.load %arg5[%swap3A_180, %swap3A_181] : memref<1x128xf32, #tpu.memory_space<vmem>>, vector<1x128xf32>
    %swap3A_183 = vector.shape_cast %swap3A_182 : vector<1x128xf32> to vector<128xf32>
    %swap3A_184 = vector.shape_cast %add3A_179 : vector<128xf32> to vector<1x128xf32>
    tpu.vector_store %arg5[%swap3A_180, %swap3A_181], %swap3A_184 {strides = array<i32>} : memref<1x128xf32, #tpu.memory_space<vmem>>, vector<1x128xf32>,
    return
  }
  func.func @transform_0(%arg0: i32) -> (i32, i32) {
    %add3A = arith.constant 0 : i32
    %add3A_0 = arith.addi %add3A, %arg0 : i32
    %c0_i32 = arith.constant 0 : i32
    %c0_i32_1 = arith.constant 0 : i32
    return %add3A_0, %c0_i32 : i32, i32
  }
  func.func @transform_1(%arg0: i32) -> (i32, i32, i32) {
    %c0_i32 = arith.constant 0 : i32
    %c0_i32_0 = arith.constant 0 : i32
    %c0_i32_1 = arith.constant 0 : i32
    %c0_i32_2 = arith.constant 0 : i32
    return %c0_i32, %c0_i32_0, %c0_i32_1 : i32, i32, i32
  }
  func.func @transform_2(%arg0: i32) -> (i32, i32, i32) {
    %c0_i32 = arith.constant 0 : i32
    %c0_i32_0 = arith.constant 0 : i32
    %c0_i32_1 = arith.constant 0 : i32
    return %c0_i32, %c0_i32_0, %arg0 : i32, i32, i32
  }
  func.func @transform_3(%arg0: i32) -> (i32, i32, i32) {
    %c0_i32 = arith.constant 0 : i32
    %c0_i32_0 = arith.constant 0 : i32
    %c0_i32_1 = arith.constant 0 : i32
    return %c0_i32, %c0_i32_0, %arg0 : i32, i32, i32
  }
  func.func @transform_4(%arg0: i32) -> (i32, i32) {
    %c0_i32 = arith.constant 0 : i32
    %c0_i32_0 = arith.constant 0 : i32
    %c0_i32_1 = arith.constant 0 : i32
    return %c0_i32, %c0_i32_0 : i32, i32
  }
}

</mosaic_0001>

<sc_bundles>
// kernel: kernel.4.cloned.1.call-start
scs
__scs_entry_jumppad:
0x0: {  	(pc) =	sbr.rel $0x88, $3  }
0x1: {  	(tag) =	ssettag $0x0;
	lr =	simm.s32 $0x1  }
0x2: {  	[smem:$0x3F9F] =	sst lr;
	_ =	strace $0xD0000000  }
0x3: {  	_ = 	snop  }
0x4: {  	_ = 	snop  }
0x5: {  	_ = 	snop  }
0x6: {  	_ = 	snop  }
0x7: {  	_ = 	snop  }
__scs_overlays_trampoline_lowered:
0x8: {  	[smem:$0x3FAE] =	sst s0  }
0x9: {  	[smem:$0x3FAF] =	sst s1  }
0xa: {  	[smem:$0x3FB0] =	sst s2  }
0xb: {  	[smem:$0x3FB1] =	sst s3  }
0xc: {  	[smem:$0x3FB2] =	sst s4  }
0xd: {  	[smem:$0x3FB3] =	sst s5  }
0xe: {  	[smem:$0x3FB4] =	sst s6  }
0xf: {  	[smem:$0x3FB5] =	sst s7  }
0x10: {  	[smem:$0x3FB6] =	sst s8  }
0x11: {  	[smem:$0x3FB7] =	sst s9;
	s0 =	simm.s32 @!p0 $0x0  }
0x12: {  	s1 =	sld [smem:$0x3F9D];
	s0 =	simm.s32 @p0 $0x1  }
0x13: {  	[smem:$0x3FB8] =	sst s0;
	s0 =	simm.s32 @!p1 $0x0  }
0x14: {  	s2 =	sld [smem:$0x3F9C];
	s0 =	simm.s32 @p1 $0x1  }
0x15: {  	[smem:$0x3FB9] =	sst s0;
	s0 =	simm.s32 @!p2 $0x0  }
0x16: {  	s3 =	sld [smem:$0x3FDB];
	s0 =	simm.s32 @p2 $0x1  }
0x17: {  	s4 =	simm.s32 $0x1BF5;
	[smem:$0x3FBB] =	sst s0  }
0x18: {  	s0 =	sld [smem:$0x3F9E];
	_ =	swait.ge [sflag:s4], $0x0  }
0x19: {  	s7 =	sld [smem:$0x3F9F]  }
0x1a: {  	s8 =	sadd.s32 $0xFFFFE003, lr  }
0x1b: {  	s9 =	sadd.s32 $0xFFFFFEF7, lr;
	s5 =	simm.s32 $0xFFFFFFFF;
	p2 =	slt.u32 s8, $0xFFFFF086  }
0x1c: {  	p1 =	slt.u32 s9, $0xF7A;
	s5 =	simm.s32 @!p2 $0x0  }
0x1d: {  	s5 =	simm.s32 @p1 $0x1;
	p0 =	seq.s32 s7, s2  }
0x1e: {  	s7 =	smul.u32 @!p0 $0xF7A, s2;
	p2 =	seq.s32 @!p0 s5, $0x0  }
0x1f: {  	s9 =	smul.u32 $0xF7A, s1;
	s8 =	simm.s32 @!p0 $0x1BF5;
	p2 =	por !p2, p0  }
0x20: {  	[sflag:s8] =	ssyncset.s32 @!p0 $0xFFFFF086;
	s6 =	sadd.s32 @!p0 s3, s7;
	s7 =	simm.s32 @!p0 $0x108  }
0x21: {  	s3 =	sadd.s32 s3, s9;
	s6 =	sadd.s32 @!p0 $0x88, s6;
	s7 =	simm.s32 @p2 $0x1082  }
0x22: {  	[simem:s7], [sflag:s8] =	dma.local @!p0 [hbm:s6], $0xF7A  }
0x23: {  	s9 =	sor.u32 $0xD0000000, s2;
	s6 =	simm.s32 $0x108;
	_ =	swait.ge @!p0 [sflag:s8], $0x0  }
0x24: {  	s3 =	sadd.s32 $0x88, s3;
	s6 =	simm.s32 @!p1 $0x1082;
	[sflag:s4] =	ssyncset.s32 $0xFFFFF086  }
0x25: {  	[simem:s6], [sflag:s4] =	dma.local [hbm:s3], $0xF7A  }
0x26: {  	[smem:$0x3F9F] =	sst s1;
	(tag) =	ssettag s2;
	_ =	strace s9  }
0x27: {  	s1 =	sld [smem:$0x3FAF]  }
0x28: {  	s2 =	sld [smem:$0x3FB0]  }
0x29: {  	s4 =	sld [smem:$0x3FB2]  }
0x2a: {  	p0 =	seq.s32 s5, $0x0;
	s5 =	sld [smem:$0x3FB3]  }
0x2b: {  	s6 =	sld [smem:$0x3FB4]  }
0x2c: {  	s7 =	sld [smem:$0x3FB5]  }
0x2d: {  	s3 =	simm.s32 $0x108;
	s8 =	sld [smem:$0x3FB6]  }
0x2e: {  	s3 =	simm.s32 @!p0 $0x1082;
	s9 =	sld [smem:$0x3FB7]  }
0x2f: {  	lr =	sadd.s32 s0, s3;
	s0 =	sld [smem:$0x3FAE]  }
0x30: {  	s3 =	sld [smem:$0x3FB1]  }
0x31: {  	[smem:$0x3FBA] =	sst s10  }
0x32: {  	s10 =	sld [smem:$0x3FB8];
	_ =	sdelay $0x3  }
0x33: {  	p0 =	seq.s32 s10, $0x1;
	s10 =	sld [smem:$0x3FBA];
	_ =	sdelay $0x3  }
0x34: {  	[smem:$0x3FBA] =	sst s10  }
0x35: {  	s10 =	sld [smem:$0x3FB9];
	_ =	sdelay $0x3  }
0x36: {  	p1 =	seq.s32 s10, $0x1;
	s10 =	sld [smem:$0x3FBA];
	_ =	sdelay $0x3  }
0x37: {  	[smem:$0x3FBA] =	sst s10  }
0x38: {  	s10 =	sld [smem:$0x3FBB]  }
0x39: {  	_ = 	snop;
	(pc) =	sbr.ind lr, $3  }
0x3a: {  	_ = 	snop  }
0x3b: {  	_ = 	snop  }
0x3c: {  	p2 =	seq.s32 s10, $0x1;
	s10 =	sld [smem:$0x3FBA]  }
0x3d: {  	_ =	shalt  }
0x3e: {  	_ =	shalt  }
0x3f: {  	_ =	shalt  }
0x40: {  	_ =	shalt  }
0x41: {  	_ =	shalt  }
0x42: {  	_ =	shalt  }
0x43: {  	_ =	shalt  }
0x44: {  	_ =	shalt  }
0x45: {  	_ =	shalt  }
0x46: {  	_ =	shalt  }
0x47: {  	_ =	shalt  }
0x48: {  	_ =	shalt  }
0x49: {  	_ =	shalt  }
0x4a: {  	_ =	shalt  }
0x4b: {  	_ =	shalt  }
0x4c: {  	_ =	shalt  }
0x4d: {  	_ =	shalt  }
0x4e: {  	_ =	shalt  }
0x4f: {  	_ =	shalt  }
0x50: {  	_ =	shalt  }
0x51: {  	_ =	shalt  }
0x52: {  	_ =	shalt  }
0x53: {  	_ =	shalt  }
0x54: {  	_ =	shalt  }
0x55: {  	_ =	shalt  }
0x56: {  	_ =	shalt  }
0x57: {  	_ =	shalt  }
0x58: {  	_ =	shalt  }
0x59: {  	_ =	shalt  }
0x5a: {  	_ =	shalt  }
0x5b: {  	_ =	shalt  }
0x5c: {  	_ =	shalt  }
0x5d: {  	_ =	shalt  }
0x5e: {  	_ =	shalt  }
0x5f: {  	_ =	shalt  }
0x60: {  	_ =	shalt  }
0x61: {  	_ =	shalt  }
0x62: {  	_ =	shalt  }
0x63: {  	_ =	shalt  }
0x64: {  	_ =	shalt  }
0x65: {  	_ =	shalt  }
0x66: {  	_ =	shalt  }
0x67: {  	_ =	shalt  }
0x68: {  	_ =	shalt  }
0x69: {  	_ =	shalt  }
0x6a: {  	_ =	shalt  }
0x6b: {  	_ =	shalt  }
0x6c: {  	_ =	shalt  }
0x6d: {  	_ =	shalt  }
0x6e: {  	_ =	shalt  }
0x6f: {  	_ =	shalt  }
0x70: {  	_ =	shalt  }
0x71: {  	_ =	shalt  }
0x72: {  	_ =	shalt  }
0x73: {  	_ =	shalt  }
0x74: {  	_ =	shalt  }
0x75: {  	_ =	shalt  }
0x76: {  	_ =	shalt  }
0x77: {  	_ =	shalt  }
0x78: {  	_ =	shalt  }
0x79: {  	_ =	shalt  }
0x7a: {  	_ =	shalt  }
0x7b: {  	_ =	shalt  }
0x7c: {  	_ =	shalt  }
0x7d: {  	_ =	shalt  }
0x7e: {  	_ =	shalt  }
0x7f: {  	_ =	shalt  }
0x80: {  	_ =	shalt  }
0x81: {  	_ =	shalt  }
0x82: {  	_ =	shalt  }
0x83: {  	_ =	shalt  }
0x84: {  	_ =	shalt  }
0x85: {  	_ =	shalt  }
0x86: {  	_ =	shalt  }
0x87: {  	_ =	shalt  }
.Lfunc_end0:
.L_simem_size_0:
called_computation.1_lowered:
.L_overlay_start_0:
0x88: {  	s2 =	sld [smem:$0x3FD9]  }
0x89: {  	s3 =	sld [smem:$0x3FFE];
	_ =	sdelay $0x1  }
0x8a: {  	s1 =	srdreg.scid  }
0x8b: {  	s0 =	sand.u32 $0x1, s1  }
0x8c: {  	s14 =	sshll.u32 s0, $0xA;
	s2 =	sadd.s32 s3, s2  }
0x8d: {  	s2 =	sadd.s32 s2, s14  }
0x8e: {  	[smem:$0x3FC6] =	sst s2  }
0x8f: {  	_ = 	snop  }
0x90: {  	s2 =	sld [smem:$0x3FD0];
	_ =	sdelay $0x2  }
0x91: {  	s15 =	simm.s32 $0xA;
	s4 =	simm.s32 $0x10  }
0x92: {  	[smem:s4], [sflag:s15] =	dma.local [hbm:s2], $0x1  }
0x93: {  	_ =	swait.eq [sflag:s15], $0x1  }
0x94: {  	[sflag:s15] =	ssyncset.done $0x0  }
0x95: {  	[sflag:s15] =	ssyncadd.s32 $0xFFFFFFFF  }
0x96: {  	s16 =	sld [smem:$0x10];
	(tm) =	ssettm $0x1  }
0x97: {  	s17 =	sld [smem:$0x3FFB];
	_ =	sdelay $0x3  }
0x98: {  	_ =	strace s17  }
0x99: {  	s3 =	sld [smem:$0x3FFC];
	_ =	sdelay $0x3  }
0x9a: {  	_ =	strace s3  }
0x9b: {  	s3 =	sld [smem:$0x3FFD];
	_ =	sdelay $0x3  }
0x9c: {  	_ =	strace s3  }
0x9d: {  	_ =	strace $0x8FFFFFFF  }
0x9e: {  	s18 =	sld [smem:$0x3FDB];
	_ =	sdelay $0x1  }
0x9f: {  	s19 =	simm.s32 $_scs_section_size  }
0xa0: {  	s5 =	simm.s32 $_size__tile_overlayer_lowered;
	s6 =	simm.s32 $_tile_overlayer_lowered  }
0xa1: {  	s22 =	simm.s32 $0x1BFF;
	s21 =	sshll.u32 s6, $0x1;
	s3 =	sadd.s32 s19, s18  }
0xa2: {  	s7 =	simm.s32 $0x0;
	s20 =	sshll.u32 s5, $0x1;
	s5 =	sadd.s32 s21, s3  }
0xa3: {  	[timem:s7], [sflag:s22] =	dma.local [hbm:s5], s20  }
0xa4: {  	_ =	swait.ge [sflag:s22], s20  }
0xa5: {  	s4 =	ssub.s32 $0x0, s20;
	[sflag:s22] =	ssyncset.done $0x0  }
0xa6: {  	[sflag:s22] =	ssyncadd.s32 s4;
	_ =	sdelay $0x1  }
0xa7: {  	s23 =	simm.s32 $0x1B8B  }
0xa8: {  	_ =	swait.ge [sflag:s23], $0x1  }
0xa9: {  	[sflag:s23] =	ssyncset.done $0x0  }
0xaa: {  	s25 =	simm.s32 $0x1B8E;
	s24 =	sld [smem:$0x3FFE];
	[sflag:s23] =	ssyncadd.s32 $0xFFFFFFFF  }
0xab: {  	s26 =	simm.s32 $execute0_lowered;
	[smem:$0x3FD2] =	sst s25  }
0xac: {  	s5 =	sshll.u32 s26, $0x1;
	_ =	strace $0x80000049;
	[dreg:$0x1] =	wrdreg $0xFFFFFFFF  }
0xad: {  	s28 =	simm.s32 $_size_execute0_lowered;
	s3 =	sadd.s32 s3, s5;
	[dreg:$0x0] =	wrdreg $0x0  }
0xae: {  	s5 =	sshll.u32 s28, $0x1;
	[dreg:$0x2] =	wrdreg s3  }
0xaf: {  	[dreg:$0x3] =	wrdreg s5  }
0xb0: {  	[dreg:$0x4] =	wrdreg $0xC0  }
0xb1: {  	_ =	task [dreg:s7], $0x5FFFF  }
0xb2: {  	[dreg:$0x1] =	wrdreg $0xFFFFFFFF  }
0xb3: {  	[dreg:$0x0] =	wrdreg $0x60  }
0xb4: {  	[dreg:$0x2] =	wrdreg s24  }
0xb5: {  	[dreg:$0x3] =	wrdreg s16  }
0xb6: {  	[dreg:$0x4] =	wrdreg $0x0  }
0xb7: {  	[dreg:$0x5] =	wrdreg $0x9  }
0xb8: {  	_ =	task.clear_ibuf [dreg:s7], $0x6FFFF;
	_ =	strace $0x90000049  }
0xb9: {  	s29 =	simm.s32 $0x9;
	_ =	strace $0x8000004B  }
0xba: {  	_ =	swait.ge [sflag:s29], $0x1  }
0xbb: {  	[sflag:s29] =	ssyncadd.s32 $0xFFFFFFFF  }
0xbc: {  	_ =	strace $0x9000004B  }
0xbd: {  	_ =	sfence  }
0xbe: {  	s30 =	sld [smem:$0x0];
	_ =	sdelay $0x2  }
0xbf: {  	s31 =	sshll.u32 s1, $0xD;
	s1 =	sshrl.u32 s1, $0x2  }
0xc0: {  	s3 =	sand.u32 $0x4000, s31;
	s1 =	sadd.s32 s1, s30  }
0xc1: {  	s0 =	sor.u32 s3, s0;
	s1 =	sshll.u32 s1, $0x11  }
0xc2: {  	s0 =	sor.u32 s1, s0  }
0xc3: {  	s0 =	sadd.s32 $0x8F2B, s0  }
0xc4: {  	[sflag:s0] =	ssyncadd.remote.s32 $0x1  }
0xc5: {  	_ =	sfence.sel $0xFFFF  }
0xc6: {  	[dreg:$0x0] =	wrdreg $0xFFFFFFFF;
	(pc) =	sbr.abs _section_cstart, $3  }
0xc7: {  	[dreg:$0x1] =	wrdreg $0xFFFFFFFF  }
0xc8: {  	_ =	task.clear_ibuf [dreg:s7], $0x2FFFF;
	_ =	strace $0x9FFFFFFF  }
0xc9: {  	(tm) =	ssettm $0x7FFFFFFF  }
tec
execute0_lowered:
.L_overlay_start_1:
0x0: {  	(tag) =	ssettag $0x1  }
0x1: {  	s6 =	rddreg [dreg:$0x0]  }
0x2: {  	s0 =	stileid.u32;
	s1 =	srdreg.scid  }
0x3: {  	s5 =	smul.u32 $0xC000, s0;
	s2 =	sshll.u32 s0, $0x1;
	s7 =	sshrl.u32 s0, $0x2  }
0x4: {  	s1 =	sand.u32 $0x1, s1;
	s3 =	sand.u32 $0x6, s2;
	s9 =	smul.u32 $0x4800, s7  }
0x5: {  	s4 =	rddreg [dreg:$0x1];
	s7 =	smul.u32 $0xC0, s7;
	s8 =	sor.u32 s1, s3  }
0x6: {  	s15 =	sshll.u32 s0, $0x6;
	s2 =	rddreg [dreg:$0x2];
	s10 =	smul.u32 $0x900, s8  }
0x7: {  	s16 =	sor.u32 $0x1C07, s15;
	s3 =	simm.s32 $0x0;
	s11 =	sshrl.u32 s5, $0x3  }
0x8: {  	[smem:$0x7FF] =	sst s3;
	s14 =	sadd.s32 s11, s6;
	s9 =	sadd.s32 s9, s10  }
0x9: {  	s8 =	smul.u32 $0x1B0000, s8;
	_ =	strace $0x8000004A;
	s9 =	sshrl.u32 s9, $0x3  }
0xa: {  	[dreg:$0x5] =	wrdreg s16;
	s10 =	sadd.s32 $0xE00, s14;
	s6 =	sadd.s32 s9, s6  }
0xb: {  	[dreg:$0x4] =	wrdreg s10;
	s17 =	sadd.s32 $0x18E00, s6;
	s6 =	sor.u32 s7, s8  }
0xc: {  	s5 =	sadd.s32 s5, s2;
	[dreg:$0x6] =	wrdreg s17;
	s7 =	sshrl.u32 s6, $0x3  }
0xd: {  	s8 =	sadd.s32 $0x18000, s6;
	s18 =	sadd.s32 $0x30000, s6;
	s22 =	sadd.s32 $0x48000, s6  }
0xe: {  	s24 =	sadd.s32 $0x60000, s6;
	s25 =	sadd.s32 $0x78000, s6;
	s10 =	sadd.s32 $0x90000, s6  }
0xf: {  	s12 =	sadd.s32 $0xA8000, s6;
	s13 =	sadd.s32 $0xC0000, s6;
	s17 =	sadd.s32 $0xD8000, s6  }
0x10: {  	s7 =	sadd.s32 s4, s7;
	s8 =	sshrl.u32 s8, $0x3;
	s20 =	sshrl.u32 s18, $0x3  }
0x11: {  	s18 =	sshrl.u32 s17, $0x3;
	s17 =	sshrl.u32 s5, $0x3;
	[dreg:$0x7] =	wrdreg s7  }
0x12: {  	s23 =	sshrl.u32 s22, $0x3;
	s19 =	sadd.s32 s4, s8;
	[dreg:$0x19] =	wrdreg s17  }
0x13: {  	s0 =	sshrl.u32 s25, $0x3;
	s21 =	sadd.s32 s4, s20;
	[dreg:$0x8] =	wrdreg s19  }
0x14: {  	s11 =	sshrl.u32 s10, $0x3;
	s7 =	sadd.s32 s4, s23;
	[dreg:$0x9] =	wrdreg s21  }
0x15: {  	s15 =	sshrl.u32 s13, $0x3;
	s9 =	sadd.s32 s4, s0;
	[dreg:$0xa] =	wrdreg s7  }
0x16: {  	s8 =	sshrl.u32 s24, $0x3;
	s16 =	sadd.s32 s4, s15;
	[dreg:$0xc] =	wrdreg s9  }
0x17: {  	s20 =	sadd.s32 $0x108000, s6;
	s24 =	sadd.s32 $0x120000, s6;
	[dreg:$0xf] =	wrdreg s16  }
0x18: {  	s26 =	sadd.s32 s4, s8;
	s22 =	sshrl.u32 s20, $0x3;
	s20 =	rddreg [dreg:$0x19]  }
0x19: {  	s7 =	sadd.s32 s4, s11;
	s8 =	sshrl.u32 s12, $0x3;
	[dreg:$0xb] =	wrdreg s26  }
0x1a: {  	s25 =	sshrl.u32 s24, $0x3;
	s24 =	simm.s32 $0xC200;
	[dreg:$0xd] =	wrdreg s7  }
0x1b: {  	s14 =	sadd.s32 s4, s8;
	[dreg:$0x1d] =	wrdreg s24  }
0x1c: {  	s0 =	sadd.s32 $0x150000, s6;
	s7 =	sadd.s32 s4, s18;
	[dreg:$0xe] =	wrdreg s14  }
0x1d: {  	s11 =	sshrl.u32 s0, $0x3;
	s23 =	sadd.s32 s4, s22;
	[dreg:$0x10] =	wrdreg s7  }
0x1e: {  	s12 =	sadd.s32 s4, s11;
	[dreg:$0x12] =	wrdreg s23  }
0x1f: {  	s19 =	sadd.s32 $0xF0000, s6;
	s18 =	simm.s32 $0xC080;
	[dreg:$0x15] =	wrdreg s12  }
0x20: {  	s8 =	sshrl.u32 s19, $0x3;
	s19 =	simm.s32 $0xC100;
	[dreg:$0x1a] =	wrdreg s18  }
0x21: {  	[dreg:$0x1b] =	wrdreg s19  }
0x22: {  	s13 =	sadd.s32 $0x168000, s6;
	s22 =	simm.s32 $0xC180;
	s23 =	rddreg [dreg:$0x4]  }
0x23: {  	s15 =	sadd.s32 $0x180000, s6;
	s21 =	sadd.s32 s4, s8;
	[dreg:$0x1c] =	wrdreg s22  }
0x24: {  	s26 =	sadd.s32 $0x138000, s6;
	s7 =	sadd.s32 s4, s25;
	[dreg:$0x11] =	wrdreg s21  }
0x25: {  	s6 =	sadd.s32 $0x198000, s6;
	s8 =	sshrl.u32 s26, $0x3;
	[dreg:$0x13] =	wrdreg s7  }
0x26: {  	s14 =	sshrl.u32 s13, $0x3;
	s10 =	sadd.s32 s4, s8;
	s21 =	rddreg [dreg:$0x5]  }
0x27: {  	s7 =	sadd.s32 s4, s14;
	s8 =	sshrl.u32 s15, $0x3;
	[dreg:$0x14] =	wrdreg s10  }
0x28: {  	s6 =	sshrl.u32 s6, $0x3;
	[dreg:$0x16] =	wrdreg s7;
	s16 =	sadd.s32 s4, s8  }
0x29: {  	s4 =	sadd.s32 s4, s6;
	[dreg:$0x17] =	wrdreg s16  }
0x2a: {  	[dreg:$0x18] =	wrdreg s4;
	s4 =	simm.s32 $0x7  }
0x2b: {  	[spmem:s20], [sflag:s21] =	dma.local [hbm:s23], $0x1800  }
0x2c: {  	_ =	swait.ge [sflag:s4], $0x1800  }
0x2d: {  	[sflag:s4] =	ssyncset.done $0x0  }
0x2e: {  	[sflag:s4] =	ssyncadd.s32 $0xFFFFE800  }
0x2f: {  	[bflag:$0x0] =	sbarrier.arrive $0xFFFF  }
0x30: {  	s5 =	simm.s32 $0xC000;
	s25 =	rddreg [dreg:$0x6]  }
0x31: {  	[tilespmem:s5], [sflag:$0x7] =	stream.linear.gather [hbm4b:s25+s3], $0x900, $0x38;
	[tilespmem:$0x1E900] =	vst v63  }
0x32: {  	_ =	swait.ge [sflag:s4], $0x900  }
0x33: {  	[sflag:s4] =	ssyncset.done $0x0  }
0x34: {  	s6 =	simm.s32 $0x80;
	s7 =	simm.s32 $0xC900;
	[sflag:s4] =	ssyncadd.s32 $0xFFFFF700  }
0x35: {  	[tilespmem:s7], [sflag:$0x1] =	stream.indirect.gather [spmem:s2], $0xC0, s5, s6, $0xb8;
	[tilespmem:$0x1E900] =	vst v63  }
0x36: {  	s9 =	simm.s32 $0x1;
	s8 =	simm.s32 $0x12900;
	s26 =	rddreg [dreg:$0x1a]  }
0x37: {  	[tilespmem:s8], [sflag:$0x2] =	stream.indirect.gather [spmem:s2], $0xC0, s26, s6, $0xb8;
	[tilespmem:$0x1E900] =	vst v63  }
0x38: {  	_ =	swait.ge [sflag:s9], $0x6000  }
0x39: {  	s11 =	simm.s32 $0x300;
	[sflag:s9] =	ssyncset.done $0x0  }
0x3a: {  	s10 =	simm.s32 $0xC0;
	s12 =	rddreg [dreg:$0x7];
	[sflag:s9] =	ssyncadd.s32 $0xFFFFA000  }
0x3b: {  	[hbm4b:s12+s10] =	stream.strided.scatter [tilespmem:s7], [sflag:$0x4], $0x6000, s11, s10, $0x38;
	[tilespmem:$0x1E900] =	vst v63  }
0x3c: {  	s13 =	simm.s32 $0x2;
	s14 =	rddreg [dreg:$0x1b];
	s12 =	simm.s32 $0x18900  }
0x3d: {  	[tilespmem:s12], [sflag:$0x3] =	stream.indirect.gather [spmem:s2], $0xC0, s14, s6, $0xb8;
	[tilespmem:$0x1E900] =	vst v63  }
0x3e: {  	_ =	swait.ge [sflag:s13], $0x6000  }
0x3f: {  	[sflag:s13] =	ssyncset.done $0x0  }
0x40: {  	s14 =	simm.s32 $0x4;
	s15 =	rddreg [dreg:$0x8];
	[sflag:s13] =	ssyncadd.s32 $0xFFFFA000  }
0x41: {  	[hbm4b:s15+s10] =	stream.strided.scatter [tilespmem:s8], [sflag:$0x5], $0x6000, s11, s10, $0x38;
	[tilespmem:$0x1E900] =	vst v63  }
0x42: {  	_ =	swait.ge [sflag:s14], $0x6000  }
0x43: {  	[sflag:s14] =	ssyncset.done $0x0  }
0x44: {  	s15 =	simm.s32 $0x3;
	s16 =	rddreg [dreg:$0x1c];
	[sflag:s14] =	ssyncadd.s32 $0xFFFFA000  }
0x45: {  	[tilespmem:s7], [sflag:$0x1] =	stream.indirect.gather [spmem:s2], $0xC0, s16, s6, $0xb8;
	[tilespmem:$0x1E900] =	vst v63  }
0x46: {  	_ =	swait.ge [sflag:s15], $0x6000  }
0x47: {  	[sflag:s15] =	ssyncset.done $0x0  }
0x48: {  	s16 =	simm.s32 $0x5;
	s17 =	rddreg [dreg:$0x9];
	[sflag:s15] =	ssyncadd.s32 $0xFFFFA000  }
0x49: {  	[hbm4b:s17+s10] =	stream.strided.scatter [tilespmem:s12], [sflag:$0x6], $0x6000, s11, s10, $0x38;
	[tilespmem:$0x1E900] =	vst v63  }
0x4a: {  	_ =	swait.ge [sflag:s16], $0x6000  }
0x4b: {  	[sflag:s16] =	ssyncset.done $0x0  }
0x4c: {  	s0 =	rddreg [dreg:$0x1d];
	[sflag:s16] =	ssyncadd.s32 $0xFFFFA000  }
0x4d: {  	[tilespmem:s8], [sflag:$0x2] =	stream.indirect.gather [spmem:s2], $0xC0, s0, s6, $0xb8;
	[tilespmem:$0x1E900] =	vst v63  }
0x4e: {  	_ =	swait.ge [sflag:s9], $0x6000  }
0x4f: {  	[sflag:s9] =	ssyncset.done $0x0  }
0x50: {  	s17 =	simm.s32 $0x6;
	s18 =	rddreg [dreg:$0xa];
	[sflag:s9] =	ssyncadd.s32 $0xFFFFA000  }
0x51: {  	[hbm4b:s18+s10] =	stream.strided.scatter [tilespmem:s7], [sflag:$0x4], $0x6000, s11, s10, $0x38;
	[tilespmem:$0x1E900] =	vst v63  }
0x52: {  	_ =	swait.ge [sflag:s17], $0x6000  }
0x53: {  	[sflag:s17] =	ssyncset.done $0x0  }
0x54: {  	s3 =	simm.s32 $0xC280;
	[sflag:s17] =	ssyncadd.s32 $0xFFFFA000  }
0x55: {  	[tilespmem:s12], [sflag:$0x3] =	stream.indirect.gather [spmem:s2], $0xC0, s3, s6, $0xb8;
	[tilespmem:$0x1E900] =	vst v63  }
0x56: {  	_ =	swait.ge [sflag:s13], $0x6000  }
0x57: {  	[sflag:s13] =	ssyncset.done $0x0  }
0x58: {  	s19 =	rddreg [dreg:$0xb];
	[sflag:s13] =	ssyncadd.s32 $0xFFFFA000  }
0x59: {  	[hbm4b:s19+s10] =	stream.strided.scatter [tilespmem:s8], [sflag:$0x5], $0x6000, s11, s10, $0x38;
	[tilespmem:$0x1E900] =	vst v63  }
0x5a: {  	_ =	swait.ge [sflag:s14], $0x6000  }
0x5b: {  	[sflag:s14] =	ssyncset.done $0x0  }
0x5c: {  	s19 =	simm.s32 $0xC300;
	[sflag:s14] =	ssyncadd.s32 $0xFFFFA000  }
0x5d: {  	[tilespmem:s7], [sflag:$0x1] =	stream.indirect.gather [spmem:s2], $0xC0, s19, s6, $0xb8;
	[tilespmem:$0x1E900] =	vst v63  }
0x5e: {  	_ =	swait.ge [sflag:s15], $0x6000  }
0x5f: {  	[sflag:s15] =	ssyncset.done $0x0  }
0x60: {  	s20 =	rddreg [dreg:$0xc];
	[sflag:s15] =	ssyncadd.s32 $0xFFFFA000  }
0x61: {  	[hbm4b:s20+s10] =	stream.strided.scatter [tilespmem:s12], [sflag:$0x6], $0x6000, s11, s10, $0x38;
	[tilespmem:$0x1E900] =	vst v63  }
0x62: {  	_ =	swait.ge [sflag:s16], $0x6000  }
0x63: {  	[sflag:s16] =	ssyncset.done $0x0  }
0x64: {  	s20 =	simm.s32 $0xC380;
	[sflag:s16] =	ssyncadd.s32 $0xFFFFA000  }
0x65: {  	[tilespmem:s8], [sflag:$0x2] =	stream.indirect.gather [spmem:s2], $0xC0, s20, s6, $0xb8;
	[tilespmem:$0x1E900] =	vst v63  }
0x66: {  	_ =	swait.ge [sflag:s9], $0x6000  }
0x67: {  	[sflag:s9] =	ssyncset.done $0x0  }
0x68: {  	s21 =	rddreg [dreg:$0xd];
	[sflag:s9] =	ssyncadd.s32 $0xFFFFA000  }
0x69: {  	[hbm4b:s21+s10] =	stream.strided.scatter [tilespmem:s7], [sflag:$0x4], $0x6000, s11, s10, $0x38;
	[tilespmem:$0x1E900] =	vst v63  }
0x6a: {  	_ =	swait.ge [sflag:s17], $0x6000  }
0x6b: {  	[sflag:s17] =	ssyncset.done $0x0  }
0x6c: {  	s21 =	simm.s32 $0xC400;
	[sflag:s17] =	ssyncadd.s32 $0xFFFFA000  }
0x6d: {  	[tilespmem:s12], [sflag:$0x3] =	stream.indirect.gather [spmem:s2], $0xC0, s21, s6, $0xb8;
	[tilespmem:$0x1E900] =	vst v63  }
0x6e: {  	_ =	swait.ge [sflag:s13], $0x6000  }
0x6f: {  	[sflag:s13] =	ssyncset.done $0x0  }
0x70: {  	s22 =	rddreg [dreg:$0xe];
	[sflag:s13] =	ssyncadd.s32 $0xFFFFA000  }
0x71: {  	[hbm4b:s22+s10] =	stream.strided.scatter [tilespmem:s8], [sflag:$0x5], $0x6000, s11, s10, $0x38;
	[tilespmem:$0x1E900] =	vst v63  }
0x72: {  	_ =	swait.ge [sflag:s14], $0x6000  }
0x73: {  	[sflag:s14] =	ssyncset.done $0x0  }
0x74: {  	s22 =	simm.s32 $0xC480;
	[sflag:s14] =	ssyncadd.s32 $0xFFFFA000  }
0x75: {  	[tilespmem:s7], [sflag:$0x1] =	stream.indirect.gather [spmem:s2], $0xC0, s22, s6, $0xb8;
	[tilespmem:$0x1E900] =	vst v63  }
0x76: {  	_ =	swait.ge [sflag:s15], $0x6000  }
0x77: {  	[sflag:s15] =	ssyncset.done $0x0  }
0x78: {  	s23 =	rddreg [dreg:$0xf];
	[sflag:s15] =	ssyncadd.s32 $0xFFFFA000  }
0x79: {  	[hbm4b:s23+s10] =	stream.strided.scatter [tilespmem:s12], [sflag:$0x6], $0x6000, s11, s10, $0x38;
	[tilespmem:$0x1E900] =	vst v63  }
0x7a: {  	_ =	swait.ge [sflag:s16], $0x6000  }
0x7b: {  	[sflag:s16] =	ssyncset.done $0x0  }
0x7c: {  	s23 =	simm.s32 $0xC500;
	[sflag:s16] =	ssyncadd.s32 $0xFFFFA000  }
0x7d: {  	[tilespmem:s8], [sflag:$0x2] =	stream.indirect.gather [spmem:s2], $0xC0, s23, s6, $0xb8;
	[tilespmem:$0x1E900] =	vst v63  }
0x7e: {  	_ =	swait.ge [sflag:s9], $0x6000  }
0x7f: {  	[sflag:s9] =	ssyncset.done $0x0  }
0x80: {  	s24 =	rddreg [dreg:$0x10];
	[sflag:s9] =	ssyncadd.s32 $0xFFFFA000  }
0x81: {  	[hbm4b:s24+s10] =	stream.strided.scatter [tilespmem:s7], [sflag:$0x4], $0x6000, s11, s10, $0x38;
	[tilespmem:$0x1E900] =	vst v63  }
0x82: {  	_ =	swait.ge [sflag:s17], $0x6000  }
0x83: {  	[sflag:s17] =	ssyncset.done $0x0  }
0x84: {  	s24 =	simm.s32 $0xC580;
	[sflag:s17] =	ssyncadd.s32 $0xFFFFA000  }
0x85: {  	[tilespmem:s12], [sflag:$0x3] =	stream.indirect.gather [spmem:s2], $0xC0, s24, s6, $0xb8;
	[tilespmem:$0x1E900] =	vst v63  }
0x86: {  	_ =	swait.ge [sflag:s13], $0x6000  }
0x87: {  	[sflag:s13] =	ssyncset.done $0x0  }
0x88: {  	s25 =	rddreg [dreg:$0x11];
	[sflag:s13] =	ssyncadd.s32 $0xFFFFA000  }
0x89: {  	[hbm4b:s25+s10] =	stream.strided.scatter [tilespmem:s8], [sflag:$0x5], $0x6000, s11, s10, $0x38;
	[tilespmem:$0x1E900] =	vst v63  }
0x8a: {  	_ =	swait.ge [sflag:s14], $0x6000  }
0x8b: {  	[sflag:s14] =	ssyncset.done $0x0  }
0x8c: {  	s25 =	simm.s32 $0xC600;
	[sflag:s14] =	ssyncadd.s32 $0xFFFFA000  }
0x8d: {  	[tilespmem:s7], [sflag:$0x1] =	stream.indirect.gather [spmem:s2], $0xC0, s25, s6, $0xb8;
	[tilespmem:$0x1E900] =	vst v63  }
0x8e: {  	_ =	swait.ge [sflag:s15], $0x6000  }
0x8f: {  	[sflag:s15] =	ssyncset.done $0x0  }
0x90: {  	s26 =	rddreg [dreg:$0x12];
	[sflag:s15] =	ssyncadd.s32 $0xFFFFA000  }
0x91: {  	[hbm4b:s26+s10] =	stream.strided.scatter [tilespmem:s12], [sflag:$0x6], $0x6000, s11, s10, $0x38;
	[tilespmem:$0x1E900] =	vst v63  }
0x92: {  	_ =	swait.ge [sflag:s16], $0x6000  }
0x93: {  	[sflag:s16] =	ssyncset.done $0x0  }
0x94: {  	s26 =	simm.s32 $0xC680;
	[sflag:s16] =	ssyncadd.s32 $0xFFFFA000  }
0x95: {  	[tilespmem:s8], [sflag:$0x2] =	stream.indirect.gather [spmem:s2], $0xC0, s26, s6, $0xb8;
	[tilespmem:$0x1E900] =	vst v63  }
0x96: {  	_ =	swait.ge [sflag:s9], $0x6000  }
0x97: {  	[sflag:s9] =	ssyncset.done $0x0  }
0x98: {  	s28 =	rddreg [dreg:$0x13];
	[sflag:s9] =	ssyncadd.s32 $0xFFFFA000  }
0x99: {  	[hbm4b:s28+s10] =	stream.strided.scatter [tilespmem:s7], [sflag:$0x4], $0x6000, s11, s10, $0x38;
	[tilespmem:$0x1E900] =	vst v63  }
0x9a: {  	_ =	swait.ge [sflag:s17], $0x6000  }
0x9b: {  	[sflag:s17] =	ssyncset.done $0x0  }
0x9c: {  	s28 =	simm.s32 $0xC700;
	[sflag:s17] =	ssyncadd.s32 $0xFFFFA000  }
0x9d: {  	[tilespmem:s12], [sflag:$0x3] =	stream.indirect.gather [spmem:s2], $0xC0, s28, s6, $0xb8;
	[tilespmem:$0x1E900] =	vst v63  }
0x9e: {  	_ =	swait.ge [sflag:s13], $0x6000  }
0x9f: {  	[sflag:s13] =	ssyncset.done $0x0  }
0xa0: {  	s29 =	rddreg [dreg:$0x14];
	[sflag:s13] =	ssyncadd.s32 $0xFFFFA000  }
0xa1: {  	[hbm4b:s29+s10] =	stream.strided.scatter [tilespmem:s8], [sflag:$0x5], $0x6000, s11, s10, $0x38;
	[tilespmem:$0x1E900] =	vst v63  }
0xa2: {  	_ =	swait.ge [sflag:s14], $0x6000  }
0xa3: {  	[sflag:s14] =	ssyncset.done $0x0  }
0xa4: {  	s29 =	simm.s32 $0xC780;
	[sflag:s14] =	ssyncadd.s32 $0xFFFFA000  }
0xa5: {  	[tilespmem:s7], [sflag:$0x1] =	stream.indirect.gather [spmem:s2], $0xC0, s29, s6, $0xb8;
	[tilespmem:$0x1E900] =	vst v63  }
0xa6: {  	_ =	swait.ge [sflag:s15], $0x6000  }
0xa7: {  	[sflag:s15] =	ssyncset.done $0x0  }
0xa8: {  	s30 =	rddreg [dreg:$0x15];
	[sflag:s15] =	ssyncadd.s32 $0xFFFFA000  }
0xa9: {  	[hbm4b:s30+s10] =	stream.strided.scatter [tilespmem:s12], [sflag:$0x6], $0x6000, s11, s10, $0x38;
	[tilespmem:$0x1E900] =	vst v63  }
0xaa: {  	_ =	swait.ge [sflag:s16], $0x6000  }
0xab: {  	[sflag:s16] =	ssyncset.done $0x0  }
0xac: {  	s30 =	simm.s32 $0xC800;
	[sflag:s16] =	ssyncadd.s32 $0xFFFFA000  }
0xad: {  	[tilespmem:s8], [sflag:$0x2] =	stream.indirect.gather [spmem:s2], $0xC0, s30, s6, $0xb8;
	[tilespmem:$0x1E900] =	vst v63  }
0xae: {  	_ =	swait.ge [sflag:s9], $0x6000  }
0xaf: {  	[sflag:s9] =	ssyncset.done $0x0  }
0xb0: {  	s31 =	rddreg [dreg:$0x16];
	[sflag:s9] =	ssyncadd.s32 $0xFFFFA000  }
0xb1: {  	[hbm4b:s31+s10] =	stream.strided.scatter [tilespmem:s7], [sflag:$0x4], $0x6000, s11, s10, $0x38;
	[tilespmem:$0x1E900] =	vst v63  }
0xb2: {  	_ =	swait.ge [sflag:s17], $0x6000  }
0xb3: {  	[sflag:s17] =	ssyncset.done $0x0  }
0xb4: {  	s31 =	simm.s32 $0xC880;
	[sflag:s17] =	ssyncadd.s32 $0xFFFFA000  }
0xb5: {  	[tilespmem:s12], [sflag:$0x3] =	stream.indirect.gather [spmem:s2], $0xC0, s31, s6, $0xb8;
	[tilespmem:$0x1E900] =	vst v63  }
0xb6: {  	_ =	swait.ge [sflag:s13], $0x6000  }
0xb7: {  	[sflag:s13] =	ssyncset.done $0x0  }
0xb8: {  	s18 =	rddreg [dreg:$0x17];
	[sflag:s13] =	ssyncadd.s32 $0xFFFFA000  }
0xb9: {  	[hbm4b:s18+s10] =	stream.strided.scatter [tilespmem:s8], [sflag:$0x5], $0x6000, s11, s10, $0x38;
	[tilespmem:$0x1E900] =	vst v63  }
0xba: {  	s18 =	ssub.s32 $0x2, s1;
	_ =	swait.ge [sflag:s15], $0x6000  }
0xbb: {  	s1 =	sshrl.u32 s18, $0x1;
	[sflag:s15] =	ssyncset.done $0x0  }
0xbc: {  	s3 =	rddreg [dreg:$0x18];
	s0 =	ssub.s32 s18, s1;
	[sflag:s15] =	ssyncadd.s32 $0xFFFFA000  }
0xbd: {  	[hbm4b:s3+s10] =	stream.strided.scatter [tilespmem:s12], [sflag:$0x6], $0x6000, s11, s10, $0x38;
	[tilespmem:$0x1E900] =	vst v63  }
0xbe: {  	s0 =	smax.u32 s0, $0x1;
	_ =	swait.ge [sflag:s14], $0x6000  }
0xbf: {  	p0 =	sne.s32 s0, $0x1;
	[sflag:s14] =	ssyncset.done $0x0  }
.Ltmp0:
0xc0: {  	[sflag:s14] =	ssyncadd.s32 $0xFFFFA000;
	(pc) =	sbr.rel @!p0 .LBB2_2-.Ltmp0, $4  }
0xc1: {  	_ =	swait.ge [sflag:s16], $0x6000  }
0xc2: {  	[sflag:s16] =	ssyncset.done $0x0  }
0xc3: {  	[sflag:s16] =	ssyncadd.s32 $0xFFFFA000  }
0xc4: {  	s1 =	sadd.s32 $0xFFFFFFFF, s0;
	_ =	swait.ge [sflag:s17], $0x6000  }
.LBB2_1:
0xc5: {  	s0 =	rddreg [dreg:$0x19]  }
0xc6: {  	[sflag:s17] =	ssyncset.done $0x0;
	s3 =	rddreg [dreg:$0x5]  }
0xc7: {  	s18 =	rddreg [dreg:$0x4];
	[sflag:s17] =	ssyncadd.s32 $0xFFFFA000  }
0xc8: {  	[spmem:s0], [sflag:s3] =	dma.local [hbm:s18], $0x1800  }
0xc9: {  	_ =	swait.ge [sflag:s4], $0x1800  }
0xca: {  	[sflag:s4] =	ssyncset.done $0x0  }
0xcb: {  	[sflag:s4] =	ssyncadd.s32 $0xFFFFE800  }
0xcc: {  	[bflag:$0x0] =	sbarrier.arrive $0xFFFF  }
0xcd: {  	s18 =	simm.s32 $0x0;
	s3 =	rddreg [dreg:$0x6]  }
0xce: {  	[tilespmem:s5], [sflag:$0x7] =	stream.linear.gather [hbm4b:s3+s18], $0x900, $0x38;
	[tilespmem:$0x1E900] =	vst v63  }
0xcf: {  	_ =	swait.ge [sflag:s4], $0x900  }
0xd0: {  	[sflag:s4] =	ssyncset.done $0x0  }
0xd1: {  	[sflag:s4] =	ssyncadd.s32 $0xFFFFF700  }
0xd2: {  	[tilespmem:s7], [sflag:$0x1] =	stream.indirect.gather [spmem:s2], $0xC0, s5, s6, $0xb8;
	[tilespmem:$0x1E900] =	vst v63  }
0xd3: {  	s18 =	rddreg [dreg:$0x1a]  }
0xd4: {  	[tilespmem:s8], [sflag:$0x2] =	stream.indirect.gather [spmem:s2], $0xC0, s18, s6, $0xb8;
	[tilespmem:$0x1E900] =	vst v63  }
0xd5: {  	_ =	swait.ge [sflag:s9], $0x6000  }
0xd6: {  	[sflag:s9] =	ssyncset.done $0x0  }
0xd7: {  	s3 =	rddreg [dreg:$0x7];
	[sflag:s9] =	ssyncadd.s32 $0xFFFFA000  }
0xd8: {  	[hbm4b:s3+s10] =	stream.strided.scatter [tilespmem:s7], [sflag:$0x4], $0x6000, s11, s10, $0x38;
	[tilespmem:$0x1E900] =	vst v63  }
0xd9: {  	s18 =	rddreg [dreg:$0x1b]  }
0xda: {  	[tilespmem:s12], [sflag:$0x3] =	stream.indirect.gather [spmem:s2], $0xC0, s18, s6, $0xb8;
	[tilespmem:$0x1E900] =	vst v63  }
0xdb: {  	_ =	swait.ge [sflag:s13], $0x6000  }
0xdc: {  	[sflag:s13] =	ssyncset.done $0x0  }
0xdd: {  	s3 =	rddreg [dreg:$0x8];
	[sflag:s13] =	ssyncadd.s32 $0xFFFFA000  }
0xde: {  	[hbm4b:s3+s10] =	stream.strided.scatter [tilespmem:s8], [sflag:$0x5], $0x6000, s11, s10, $0x38;
	[tilespmem:$0x1E900] =	vst v63  }
0xdf: {  	_ =	swait.ge [sflag:s14], $0x6000  }
0xe0: {  	[sflag:s14] =	ssyncset.done $0x0  }
0xe1: {  	s18 =	rddreg [dreg:$0x1c];
	[sflag:s14] =	ssyncadd.s32 $0xFFFFA000  }
0xe2: {  	[tilespmem:s7], [sflag:$0x1] =	stream.indirect.gather [spmem:s2], $0xC0, s18, s6, $0xb8;
	[tilespmem:$0x1E900] =	vst v63  }
0xe3: {  	_ =	swait.ge [sflag:s15], $0x6000  }
0xe4: {  	[sflag:s15] =	ssyncset.done $0x0  }
0xe5: {  	s3 =	rddreg [dreg:$0x9];
	[sflag:s15] =	ssyncadd.s32 $0xFFFFA000  }
0xe6: {  	[hbm4b:s3+s10] =	stream.strided.scatter [tilespmem:s12], [sflag:$0x6], $0x6000, s11, s10, $0x38;
	[tilespmem:$0x1E900] =	vst v63  }
0xe7: {  	_ =	swait.ge [sflag:s16], $0x6000  }
0xe8: {  	[sflag:s16] =	ssyncset.done $0x0  }
0xe9: {  	s18 =	rddreg [dreg:$0x1d];
	[sflag:s16] =	ssyncadd.s32 $0xFFFFA000  }
0xea: {  	[tilespmem:s8], [sflag:$0x2] =	stream.indirect.gather [spmem:s2], $0xC0, s18, s6, $0xb8;
	[tilespmem:$0x1E900] =	vst v63  }
0xeb: {  	_ =	swait.ge [sflag:s9], $0x6000  }
0xec: {  	[sflag:s9] =	ssyncset.done $0x0  }
0xed: {  	s3 =	rddreg [dreg:$0xa];
	[sflag:s9] =	ssyncadd.s32 $0xFFFFA000  }
0xee: {  	[hbm4b:s3+s10] =	stream.strided.scatter [tilespmem:s7], [sflag:$0x4], $0x6000, s11, s10, $0x38;
	[tilespmem:$0x1E900] =	vst v63  }
0xef: {  	_ =	swait.ge [sflag:s17], $0x6000  }
0xf0: {  	[sflag:s17] =	ssyncset.done $0x0  }
0xf1: {  	s18 =	simm.s32 $0xC280;
	[sflag:s17] =	ssyncadd.s32 $0xFFFFA000  }
0xf2: {  	[tilespmem:s12], [sflag:$0x3] =	stream.indirect.gather [spmem:s2], $0xC0, s18, s6, $0xb8;
	[tilespmem:$0x1E900] =	vst v63  }
0xf3: {  	_ =	swait.ge [sflag:s13], $0x6000  }
0xf4: {  	[sflag:s13] =	ssyncset.done $0x0  }
0xf5: {  	s3 =	rddreg [dreg:$0xb];
	[sflag:s13] =	ssyncadd.s32 $0xFFFFA000  }
0xf6: {  	[hbm4b:s3+s10] =	stream.strided.scatter [tilespmem:s8], [sflag:$0x5], $0x6000, s11, s10, $0x38;
	[tilespmem:$0x1E900] =	vst v63  }
0xf7: {  	_ =	swait.ge [sflag:s14], $0x6000  }
0xf8: {  	[sflag:s14] =	ssyncset.done $0x0  }
0xf9: {  	[sflag:s14] =	ssyncadd.s32 $0xFFFFA000  }
0xfa: {  	[tilespmem:s7], [sflag:$0x1] =	stream.indirect.gather [spmem:s2], $0xC0, s19, s6, $0xb8;
	[tilespmem:$0x1E900] =	vst v63  }
0xfb: {  	_ =	swait.ge [sflag:s15], $0x6000  }
0xfc: {  	[sflag:s15] =	ssyncset.done $0x0  }
0xfd: {  	s18 =	rddreg [dreg:$0xc];
	[sflag:s15] =	ssyncadd.s32 $0xFFFFA000  }
0xfe: {  	[hbm4b:s18+s10] =	stream.strided.scatter [tilespmem:s12], [sflag:$0x6], $0x6000, s11, s10, $0x38;
	[tilespmem:$0x1E900] =	vst v63  }
0xff: {  	_ =	swait.ge [sflag:s16], $0x6000  }
0x100: {  	[sflag:s16] =	ssyncset.done $0x0  }
0x101: {  	[sflag:s16] =	ssyncadd.s32 $0xFFFFA000  }
0x102: {  	[tilespmem:s8], [sflag:$0x2] =	stream.indirect.gather [spmem:s2], $0xC0, s20, s6, $0xb8;
	[tilespmem:$0x1E900] =	vst v63  }
0x103: {  	_ =	swait.ge [sflag:s9], $0x6000  }
0x104: {  	[sflag:s9] =	ssyncset.done $0x0  }
0x105: {  	s3 =	rddreg [dreg:$0xd];
	[sflag:s9] =	ssyncadd.s32 $0xFFFFA000  }
0x106: {  	[hbm4b:s3+s10] =	stream.strided.scatter [tilespmem:s7], [sflag:$0x4], $0x6000, s11, s10, $0x38;
	[tilespmem:$0x1E900] =	vst v63  }
0x107: {  	_ =	swait.ge [sflag:s17], $0x6000  }
0x108: {  	[sflag:s17] =	ssyncset.done $0x0  }
0x109: {  	[sflag:s17] =	ssyncadd.s32 $0xFFFFA000  }
0x10a: {  	[tilespmem:s12], [sflag:$0x3] =	stream.indirect.gather [spmem:s2], $0xC0, s21, s6, $0xb8;
	[tilespmem:$0x1E900] =	vst v63  }
0x10b: {  	_ =	swait.ge [sflag:s13], $0x6000  }
0x10c: {  	[sflag:s13] =	ssyncset.done $0x0  }
0x10d: {  	s18 =	rddreg [dreg:$0xe];
	[sflag:s13] =	ssyncadd.s32 $0xFFFFA000  }
0x10e: {  	[hbm4b:s18+s10] =	stream.strided.scatter [tilespmem:s8], [sflag:$0x5], $0x6000, s11, s10, $0x38;
	[tilespmem:$0x1E900] =	vst v63  }
0x10f: {  	_ =	swait.ge [sflag:s14], $0x6000  }
0x110: {  	[sflag:s14] =	ssyncset.done $0x0  }
0x111: {  	[sflag:s14] =	ssyncadd.s32 $0xFFFFA000  }
0x112: {  	[tilespmem:s7], [sflag:$0x1] =	stream.indirect.gather [spmem:s2], $0xC0, s22, s6, $0xb8;
	[tilespmem:$0x1E900] =	vst v63  }
0x113: {  	_ =	swait.ge [sflag:s15], $0x6000  }
0x114: {  	[sflag:s15] =	ssyncset.done $0x0  }
0x115: {  	s3 =	rddreg [dreg:$0xf];
	[sflag:s15] =	ssyncadd.s32 $0xFFFFA000  }
0x116: {  	[hbm4b:s3+s10] =	stream.strided.scatter [tilespmem:s12], [sflag:$0x6], $0x6000, s11, s10, $0x38;
	[tilespmem:$0x1E900] =	vst v63  }
0x117: {  	_ =	swait.ge [sflag:s16], $0x6000  }
0x118: {  	[sflag:s16] =	ssyncset.done $0x0  }
0x119: {  	[sflag:s16] =	ssyncadd.s32 $0xFFFFA000  }
0x11a: {  	[tilespmem:s8], [sflag:$0x2] =	stream.indirect.gather [spmem:s2], $0xC0, s23, s6, $0xb8;
	[tilespmem:$0x1E900] =	vst v63  }
0x11b: {  	_ =	swait.ge [sflag:s9], $0x6000  }
0x11c: {  	[sflag:s9] =	ssyncset.done $0x0  }
0x11d: {  	s18 =	rddreg [dreg:$0x10];
	[sflag:s9] =	ssyncadd.s32 $0xFFFFA000  }
0x11e: {  	[hbm4b:s18+s10] =	stream.strided.scatter [tilespmem:s7], [sflag:$0x4], $0x6000, s11, s10, $0x38;
	[tilespmem:$0x1E900] =	vst v63  }
0x11f: {  	_ =	swait.ge [sflag:s17], $0x6000  }
0x120: {  	[sflag:s17] =	ssyncset.done $0x0  }
0x121: {  	[sflag:s17] =	ssyncadd.s32 $0xFFFFA000  }
0x122: {  	[tilespmem:s12], [sflag:$0x3] =	stream.indirect.gather [spmem:s2], $0xC0, s24, s6, $0xb8;
	[tilespmem:$0x1E900] =	vst v63  }
0x123: {  	_ =	swait.ge [sflag:s13], $0x6000  }
0x124: {  	[sflag:s13] =	ssyncset.done $0x0  }
0x125: {  	s3 =	rddreg [dreg:$0x11];
	[sflag:s13] =	ssyncadd.s32 $0xFFFFA000  }
0x126: {  	[hbm4b:s3+s10] =	stream.strided.scatter [tilespmem:s8], [sflag:$0x5], $0x6000, s11, s10, $0x38;
	[tilespmem:$0x1E900] =	vst v63  }
0x127: {  	_ =	swait.ge [sflag:s14], $0x6000  }
0x128: {  	[sflag:s14] =	ssyncset.done $0x0  }
0x129: {  	[sflag:s14] =	ssyncadd.s32 $0xFFFFA000  }
0x12a: {  	[tilespmem:s7], [sflag:$0x1] =	stream.indirect.gather [spmem:s2], $0xC0, s25, s6, $0xb8;
	[tilespmem:$0x1E900] =	vst v63  }
0x12b: {  	_ =	swait.ge [sflag:s15], $0x6000  }
0x12c: {  	[sflag:s15] =	ssyncset.done $0x0  }
0x12d: {  	s18 =	rddreg [dreg:$0x12];
	[sflag:s15] =	ssyncadd.s32 $0xFFFFA000  }
0x12e: {  	[hbm4b:s18+s10] =	stream.strided.scatter [tilespmem:s12], [sflag:$0x6], $0x6000, s11, s10, $0x38;
	[tilespmem:$0x1E900] =	vst v63  }
0x12f: {  	_ =	swait.ge [sflag:s16], $0x6000  }
0x130: {  	[sflag:s16] =	ssyncset.done $0x0  }
0x131: {  	[sflag:s16] =	ssyncadd.s32 $0xFFFFA000  }
0x132: {  	[tilespmem:s8], [sflag:$0x2] =	stream.indirect.gather [spmem:s2], $0xC0, s26, s6, $0xb8;
	[tilespmem:$0x1E900] =	vst v63  }
0x133: {  	_ =	swait.ge [sflag:s9], $0x6000  }
0x134: {  	[sflag:s9] =	ssyncset.done $0x0  }
0x135: {  	s3 =	rddreg [dreg:$0x13];
	[sflag:s9] =	ssyncadd.s32 $0xFFFFA000  }
0x136: {  	[hbm4b:s3+s10] =	stream.strided.scatter [tilespmem:s7], [sflag:$0x4], $0x6000, s11, s10, $0x38;
	[tilespmem:$0x1E900] =	vst v63  }
0x137: {  	_ =	swait.ge [sflag:s17], $0x6000  }
0x138: {  	[sflag:s17] =	ssyncset.done $0x0  }
0x139: {  	[sflag:s17] =	ssyncadd.s32 $0xFFFFA000  }
0x13a: {  	[tilespmem:s12], [sflag:$0x3] =	stream.indirect.gather [spmem:s2], $0xC0, s28, s6, $0xb8;
	[tilespmem:$0x1E900] =	vst v63  }
0x13b: {  	_ =	swait.ge [sflag:s13], $0x6000  }
0x13c: {  	[sflag:s13] =	ssyncset.done $0x0  }
0x13d: {  	s18 =	rddreg [dreg:$0x14];
	[sflag:s13] =	ssyncadd.s32 $0xFFFFA000  }
0x13e: {  	[hbm4b:s18+s10] =	stream.strided.scatter [tilespmem:s8], [sflag:$0x5], $0x6000, s11, s10, $0x38;
	[tilespmem:$0x1E900] =	vst v63  }
0x13f: {  	_ =	swait.ge [sflag:s14], $0x6000  }
0x140: {  	[sflag:s14] =	ssyncset.done $0x0  }
0x141: {  	[sflag:s14] =	ssyncadd.s32 $0xFFFFA000  }
0x142: {  	[tilespmem:s7], [sflag:$0x1] =	stream.indirect.gather [spmem:s2], $0xC0, s29, s6, $0xb8;
	[tilespmem:$0x1E900] =	vst v63  }
0x143: {  	_ =	swait.ge [sflag:s15], $0x6000  }
0x144: {  	[sflag:s15] =	ssyncset.done $0x0  }
0x145: {  	s3 =	rddreg [dreg:$0x15];
	[sflag:s15] =	ssyncadd.s32 $0xFFFFA000  }
0x146: {  	[hbm4b:s3+s10] =	stream.strided.scatter [tilespmem:s12], [sflag:$0x6], $0x6000, s11, s10, $0x38;
	[tilespmem:$0x1E900] =	vst v63  }
0x147: {  	_ =	swait.ge [sflag:s16], $0x6000  }
0x148: {  	[sflag:s16] =	ssyncset.done $0x0  }
0x149: {  	[sflag:s16] =	ssyncadd.s32 $0xFFFFA000  }
0x14a: {  	[tilespmem:s8], [sflag:$0x2] =	stream.indirect.gather [spmem:s2], $0xC0, s30, s6, $0xb8;
	[tilespmem:$0x1E900] =	vst v63  }
0x14b: {  	_ =	swait.ge [sflag:s9], $0x6000  }
0x14c: {  	[sflag:s9] =	ssyncset.done $0x0  }
0x14d: {  	s18 =	rddreg [dreg:$0x16];
	[sflag:s9] =	ssyncadd.s32 $0xFFFFA000  }
0x14e: {  	[hbm4b:s18+s10] =	stream.strided.scatter [tilespmem:s7], [sflag:$0x4], $0x6000, s11, s10, $0x38;
	[tilespmem:$0x1E900] =	vst v63  }
0x14f: {  	_ =	swait.ge [sflag:s17], $0x6000  }
0x150: {  	[sflag:s17] =	ssyncset.done $0x0  }
0x151: {  	[sflag:s17] =	ssyncadd.s32 $0xFFFFA000  }
0x152: {  	[tilespmem:s12], [sflag:$0x3] =	stream.indirect.gather [spmem:s2], $0xC0, s31, s6, $0xb8;
	[tilespmem:$0x1E900] =	vst v63  }
0x153: {  	_ =	swait.ge [sflag:s13], $0x6000  }
0x154: {  	[sflag:s13] =	ssyncset.done $0x0  }
0x155: {  	s3 =	rddreg [dreg:$0x17];
	[sflag:s13] =	ssyncadd.s32 $0xFFFFA000  }
0x156: {  	[hbm4b:s3+s10] =	stream.strided.scatter [tilespmem:s8], [sflag:$0x5], $0x6000, s11, s10, $0x38;
	[tilespmem:$0x1E900] =	vst v63  }
0x157: {  	_ =	swait.ge [sflag:s15], $0x6000  }
0x158: {  	[sflag:s15] =	ssyncset.done $0x0  }
0x159: {  	s18 =	rddreg [dreg:$0x18];
	[sflag:s15] =	ssyncadd.s32 $0xFFFFA000  }
0x15a: {  	[hbm4b:s18+s10] =	stream.strided.scatter [tilespmem:s12], [sflag:$0x6], $0x6000, s11, s10, $0x38;
	[tilespmem:$0x1E900] =	vst v63  }
0x15b: {  	_ =	swait.ge [sflag:s14], $0x6000  }
0x15c: {  	p0 =	sne.s32 s1, $0x1;
	[sflag:s14] =	ssyncset.done $0x0  }
.Ltmp1:
0x15d: {  	[sflag:s14] =	ssyncadd.s32 $0xFFFFA000;
	(pc) =	sbr.rel @p0 .LBB2_1-.Ltmp1, $4  }
0x15e: {  	_ =	swait.ge [sflag:s16], $0x6000  }
0x15f: {  	[sflag:s16] =	ssyncset.done $0x0  }
0x160: {  	[sflag:s16] =	ssyncadd.s32 $0xFFFFA000  }
0x161: {  	s1 =	sadd.s32 $0xFFFFFFFF, s1;
	_ =	swait.ge [sflag:s17], $0x6000  }
.LBB2_2:
0x162: {  	[sflag:s17] =	ssyncset.done $0x0  }
0x163: {  	[sflag:s17] =	ssyncadd.s32 $0xFFFFA000  }
0x164: {  	_ =	sfence.sel $0x180000  }
0x165: {  	[bflag:$0x0] =	sbarrier.arrive $0xFFFF  }
0x166: {  	_ =	strace $0x9000004A  }
0x167: {  	s0 =	stileid.u32;
	[bflag:$0x2] =	sbarrier.arrive $0xFFFF  }
0x168: {  	p0 =	sne.s32 s0, $0x0;
	s0 =	rddreg [dreg:$0x3]  }
0x169: {  	s0 =	sadd.s32 @!p0 $0x100000, s0  }
0x16a: {  	[sflag:s0] =	ssyncadd.tile.s32 @!p0 $0x1;
	_ =	shalt  }
.Lfunc_end2:
_tile_overlayer_lowered:
.L_overlay_start_2:
0x16b: {  	(tag) =	ssettag $0x2  }
0x16c: {  	s0 =	rddreg [dreg:$0x0];
	s2 =	stileid.u32  }
0x16d: {  	s1 =	rddreg [dreg:$0x1];
	p0 =	sne.s32 s2, $0x0  }
0x16e: {  	s3 =	rddreg [dreg:$0x2];
	[bflag:$0x3] =	sbarrier.arrive $0xFFFF;
	s2 =	simm.s32 @!p0 $0x1C07  }
0x16f: {  	[timem:s3], [sflag:s2] =	dma.local @!p0 [hbm:s0], s1  }
0x170: {  	s0 =	simm.s32 @!p0 $0x7  }
0x171: {  	_ =	swait.ge @!p0 [sflag:s0], s1  }
0x172: {  	s1 =	ssub.s32 @!p0 $0x0, s1;
	[sflag:s0] =	ssyncset.done @!p0 $0x0  }
0x173: {  	[sflag:s0] =	ssyncadd.s32 @!p0 s1  }
0x174: {  	[bflag:$0x3] =	sbarrier.arrive $0xFFFF  }
0x175: {  	_ =	shalt  }

// kernel: sparse-core-data-format-call.cloned.1.call-start
scs
called_computation_lowered:
.L_overlay_start_0:
0x0: {  	s2 =	sld [smem:$0x3FD9]  }
0x1: {  	s3 =	sld [smem:$0x3FFE];
	_ =	sdelay $0x1  }
0x2: {  	s1 =	srdreg.scid  }
0x3: {  	s0 =	sand.u32 $0x1, s1  }
0x4: {  	s16 =	sshll.u32 s0, $0xA;
	s2 =	sadd.s32 s3, s2  }
0x5: {  	s2 =	sadd.s32 s2, s16  }
0x6: {  	[smem:$0x3FC6] =	sst s2  }
0x7: {  	_ = 	snop  }
0x8: {  	s2 =	sld [smem:$0x3FD0];
	_ =	sdelay $0x2  }
0x9: {  	s4 =	simm.s32 $0xA;
	s5 =	simm.s32 $0x10;
	s17 =	sld [smem:$0x3FC9]  }
0xa: {  	[smem:s5], [sflag:s4] =	dma.local [hbm:s2], $0x1  }
0xb: {  	_ =	swait.eq [sflag:s4], $0x1  }
0xc: {  	[sflag:s4] =	ssyncset.done $0x0  }
0xd: {  	[sflag:s4] =	ssyncadd.s32 $0xFFFFFFFF  }
0xe: {  	s18 =	sld [smem:$0x10];
	(tm) =	ssettm $0x1  }
0xf: {  	s19 =	sld [smem:$0x3FFB];
	_ =	sdelay $0x3  }
0x10: {  	_ =	strace s19  }
0x11: {  	s4 =	sld [smem:$0x3FFC];
	_ =	sdelay $0x3  }
0x12: {  	_ =	strace s4  }
0x13: {  	s4 =	sld [smem:$0x3FFD];
	_ =	sdelay $0x3  }
0x14: {  	_ =	strace s4  }
0x15: {  	_ =	strace $0x8FFFFFFF  }
0x16: {  	s20 =	sld [smem:$0x3FDB];
	_ =	sdelay $0x1  }
0x17: {  	s21 =	simm.s32 $_scs_section_size  }
0x18: {  	s6 =	simm.s32 $_size__tile_overlayer_lowered;
	s7 =	simm.s32 $_tile_overlayer_lowered  }
0x19: {  	s24 =	simm.s32 $0x1BFF;
	s23 =	sshll.u32 s7, $0x1;
	s4 =	sadd.s32 s21, s20  }
0x1a: {  	s8 =	simm.s32 $0x0;
	s22 =	sshll.u32 s6, $0x1;
	s6 =	sadd.s32 s23, s4  }
0x1b: {  	[timem:s8], [sflag:s24] =	dma.local [hbm:s6], s22  }
0x1c: {  	_ =	swait.ge [sflag:s24], s22  }
0x1d: {  	s5 =	ssub.s32 $0x0, s22;
	[sflag:s24] =	ssyncset.done $0x0  }
0x1e: {  	[sflag:s24] =	ssyncadd.s32 s5;
	_ =	sdelay $0x1  }
0x1f: {  	s25 =	simm.s32 $0x1B8B  }
0x20: {  	_ =	swait.ge [sflag:s25], $0x1  }
0x21: {  	[sflag:s25] =	ssyncset.done $0x0  }
0x22: {  	s26 =	simm.s32 $0x1B8E;
	[sflag:s25] =	ssyncadd.s32 $0xFFFFFFFF  }
0x23: {  	s27 =	simm.s32 $execute0_lowered;
	[smem:$0x3FD2] =	sst s26  }
0x24: {  	s5 =	sshll.u32 s27, $0x1;
	_ =	strace $0x80000046;
	[dreg:$0x1] =	wrdreg $0xFFFFFFFF  }
0x25: {  	s28 =	simm.s32 $_size_execute0_lowered;
	s4 =	sadd.s32 s4, s5;
	[dreg:$0x0] =	wrdreg $0x0  }
0x26: {  	s5 =	sshll.u32 s28, $0x1;
	[dreg:$0x2] =	wrdreg s4  }
0x27: {  	[dreg:$0x3] =	wrdreg s5  }
0x28: {  	[dreg:$0x4] =	wrdreg $0xC0  }
0x29: {  	_ =	task [dreg:s8], $0x5FFFF  }
0x2a: {  	[dreg:$0x1] =	wrdreg $0xFFFFFFFF  }
0x2b: {  	[dreg:$0x0] =	wrdreg $0x60  }
0x2c: {  	[dreg:$0x2] =	wrdreg s17  }
0x2d: {  	[dreg:$0x3] =	wrdreg s18  }
0x2e: {  	[dreg:$0x4] =	wrdreg $0x9  }
0x2f: {  	_ =	task.clear_ibuf [dreg:s8], $0x5FFFF;
	_ =	strace $0x90000046  }
0x30: {  	s29 =	simm.s32 $0x9;
	_ =	strace $0x80000048  }
0x31: {  	_ =	swait.ge [sflag:s29], $0x1  }
0x32: {  	[sflag:s29] =	ssyncadd.s32 $0xFFFFFFFF  }
0x33: {  	_ =	strace $0x90000048  }
0x34: {  	_ =	sfence  }
0x35: {  	s30 =	sld [smem:$0x0];
	_ =	sdelay $0x2  }
0x36: {  	s31 =	sshll.u32 s1, $0xD;
	s1 =	sshrl.u32 s1, $0x2  }
0x37: {  	s3 =	sand.u32 $0x4000, s31;
	s1 =	sadd.s32 s1, s30  }
0x38: {  	s0 =	sor.u32 s3, s0;
	s1 =	sshll.u32 s1, $0x11  }
0x39: {  	s0 =	sor.u32 s1, s0  }
0x3a: {  	s0 =	sadd.s32 $0x8F2B, s0  }
0x3b: {  	[sflag:s0] =	ssyncadd.remote.s32 $0x1  }
0x3c: {  	_ =	sfence.sel $0xFFFF  }
0x3d: {  	[dreg:$0x0] =	wrdreg $0xFFFFFFFF;
	(pc) =	sbr.abs _section_cstart, $3  }
0x3e: {  	[dreg:$0x1] =	wrdreg $0xFFFFFFFF  }
0x3f: {  	_ =	task.clear_ibuf [dreg:s8], $0x2FFFF;
	_ =	strace $0x9FFFFFFF  }
0x40: {  	(tm) =	ssettm $0x7FFFFFFF  }
0x41: {  	_ =	shalt  }
tec
execute0_lowered:
.L_overlay_start_1:
0x0: {  	(tag) =	ssettag $0x1  }
0x1: {  	s0 =	srdreg.scid  }
0x2: {  	s1 =	sshll.u32 s0, $0x4  }
0x3: {  	s0 =	stileid.u32;
	s1 =	sand.u32 $0x10, s1  }
0x4: {  	s1 =	sor.u32 s0, s1  }
0x5: {  	s3 =	rddreg [dreg:$0x0];
	s2 =	sshll.u32 s1, $0x6  }
0x6: {  	s5 =	simm.s32 $0x1;
	s7 =	simm.s32 $0x2;
	s1 =	ssub.s32 $0x4800, s2  }
0x7: {  	s13 =	simm.s32 $0x0;
	s8 =	simm.s32 $0x1800;
	s4 =	sand.u32 $0x7C0, s1  }
0x8: {  	s9 =	simm.s32 $0x0;
	s6 =	sshrl.u32 s1, $0xB;
	p0 =	sne.s32 s4, $0x0  }
.Ltmp0:
0x9: {  	s1 =	rddreg [dreg:$0x2];
	s5 =	simm.s32 @!p0 $0x0;
	(pc) =	sbr.rel .LBB1_1-.Ltmp0, $4  }
0xa: {  	s15 =	simm.s32 $0x0;
	s4 =	rddreg [dreg:$0x1];
	s6 =	sadd.s32 s5, s6  }
0xb: {  	_ =	strace $0x80000047;
	s5 =	simm.s32 $0x1;
	s6 =	smul.u32 $0x3, s6  }
0xc: {  	s10 =	simm.s32 $0x0;
	s12 =	simm.s32 $0x0;
	[sflag:s5] =	ssyncpa.u1 $0x0  }
0xd: {  	s11 =	smov.u32 s2;
	[sflag:s7] =	ssyncpa.u1 $0x0;
	s7 =	sadd.s32 $0x1, s6  }
.LBB1_4:
0xe: {  	_ =	sdelay $0x3  }
0xf: {  	[tilespmem:v0+s17+$0x420 ss:$0x1] =	vst.idx.msk $0xffff, v4  }
0x10: {  	[tilespmem:v0+s17+$0x430 ss:$0x1] =	vst.idx.msk $0xffff, v7  }
0x11: {  	s18 =	sadd.s32 $0x80, s18;
	[tilespmem:v0+s17+$0x440 ss:$0x1] =	vst.idx.msk $0xffff, v3;
	v57 =	vld [tilespmem:s16+$0x10]  }
0x12: {  	s20 =	sand.u32 $0x3800, s21;
	[tilespmem:s19+$0x0] =	vst v5;
	v58 =	vld [tilespmem:s16+$0x20];
	s31 =	sand.u32 $0x380, s18  }
0x13: {  	[tilespmem:v0+s17+$0x450 ss:$0x1] =	vst.idx.msk $0xffff, v2;
	v59 =	vld [tilespmem:s16+$0x30];
	s20 =	sor.u32 s31, s20  }
0x14: {  	s23 =	sshrl.u32 s15, $0x3;
	[tilespmem:v0+s17+$0x460 ss:$0x1] =	vst.idx.msk $0xffff, v1;
	s25 =	sshll.u32 s13, $0x3;
	v60 =	vld [tilespmem:s16+$0x40];
	s22 =	sand.u32 $0x3B00, s20  }
0x15: {  	v62 =	vld [tilespmem:s16+$0x50];
	s18 =	sand.u32 $0x80, s18;
	s24 =	smul.u32 $0x1800, s23;
	[tilespmem:v0+s20+$0x470 ss:$0x1] =	vst.idx.msk $0xffff, v6;
	s19 =	sadd.s32 s22, s14  }
0x16: {  	s26 =	sshll.u32 s15, $0x7;
	v63 =	vld [tilespmem:s16+$0x60];
	s18 =	sadd.s32 s18, s19;
	s19 =	sand.u32 $0xFFFFFC00, s25;
	[tilespmem:v0+s20+$0x410 ss:$0x1] =	vst.idx.msk $0xffff, v57  }
0x17: {  	v49 =	vld [tilespmem:s16+$0xFFFFFF90];
	s15 =	sand.u32 $0x380, s26;
	[tilespmem:v0+s20+$0x420 ss:$0x1] =	vst.idx.msk $0xffff, v58;
	s17 =	sadd.s32 s24, s19  }
0x18: {  	v50 =	vld [tilespmem:s16+$0xFFFFFFA0];
	[tilespmem:v0+s20+$0x430 ss:$0x1] =	vst.idx.msk $0xffff, v59;
	s15 =	sor.u32 s15, s17  }
0x19: {  	v51 =	vld [tilespmem:s16+$0xFFFFFFB0];
	s27 =	sand.u32 $0x7F, s13;
	[tilespmem:v0+s20+$0x440 ss:$0x1] =	vst.idx.msk $0xffff, v60;
	s17 =	smulhi.u32 $0xAAAAAAAB, s15  }
0x1a: {  	v52 =	vld [tilespmem:s16+$0xFFFFFFC0];
	[tilespmem:v0+s20+$0x450 ss:$0x1] =	vst.idx.msk $0xffff, v62;
	s13 =	sor.u32 s27, s15  }
0x1b: {  	v53 =	vld [tilespmem:s16+$0xFFFFFFD0];
	[tilespmem:v0+s20+$0x460 ss:$0x1] =	vst.idx.msk $0xffff, v63;
	s15 =	smulhi.u32 $0xAAAAAAAB, s13;
	s17 =	sshrl.u32 s17, $0x9  }
0x1c: {  	v54 =	vld [tilespmem:s16+$0xFFFFFFE0];
	[tilespmem:s18+$0x10] =	vst v49;
	s28 =	smulhi.u32 $0x71C71D, s17  }
0x1d: {  	v55 =	vld [tilespmem:s16+$0xFFFFFFF0];
	[tilespmem:s18+$0x20] =	vst v50;
	s15 =	sshrl.u32 s15, $0x9  }
0x1e: {  	v56 =	vld [tilespmem:s16+$0x0];
	[tilespmem:s18+$0x30] =	vst v51;
	s15 =	smul.u32 $0x300, s15;
	s19 =	sshrl.u32 s28, $0x5  }
0x1f: {  	v61 =	vld [tilespmem:s16+$0xFFFFFF80];
	[tilespmem:s18+$0x40] =	vst v52;
	s29 =	smul.u32 $0x4800, s19  }
0x20: {  	[tilespmem:s18+$0x50] =	vst v53  }
0x21: {  	[tilespmem:s18+$0x60] =	vst v54;
	s13 =	ssub.s32 s13, s15;
	s30 =	ssub.s32 s17, s29  }
0x22: {  	[tilespmem:s18+$0x70] =	vst v55;
	s31 =	sshrl.u32 s13, $0x3;
	s13 =	sand.u32 $0x7, s13;
	s15 =	smul.u32 $0x60, s30  }
0x23: {  	[tilespmem:s18+$0x400] =	vst v56;
	s16 =	sadd.s32 s4, s31;
	s13 =	sshll.u32 s13, $0x12  }
0x24: {  	[tilespmem:s18+$0x0] =	vst v61;
	s13 =	sor.u32 $0x800, s13;
	s15 =	sadd.s32 s15, s16  }
0x25: {  	[hbm4b:s15+s13] =	stream.strided.scatter [tilespmem:s14], [sflag:$0x2], $0x4000, s8, s13, $0x38;
	[tilespmem:$0x10000] =	vst v63  }
.LBB1_5:
0x26: {  	s14 =	sadd.s32 $0x100, s10  }
0x27: {  	s13 =	sadd.s32 $0x800, s11;
	s17 =	smov.u32 s11;
	p1 =	sgt.s32 s14, $0x2FF  }
0x28: {  	s17 =	smov.u32 @p1 s13  }
0x29: {  	s14 =	simm.s32 @p1 $0x0;
	p1 =	sgt.s32 s17, $0x47FF  }
0x2a: {  	s17 =	smov.u32 @p1 s2;
	p1 =	sne.s32 s12, s7  }
.Ltmp1:
0x2b: {  	p0 =	slt.u32 s12, $0x2;
	(pc) =	sbr.rel @!p1 .LBB1_6-.Ltmp1, $4  }
0x2c: {  	s16 =	simm.s32 @!p0 $0x2  }
0x2d: {  	s15 =	smov.u32 s11;
	s9 =	sadd.s32 $0x4000, s9;
	_ =	swait.ge @!p0 [sflag:s16], $0x4000  }
0x2e: {  	s13 =	smov.u32 s10;
	[sflag:s16] =	ssyncset.done @!p0 $0x0;
	s10 =	smov.u32 s14  }
0x2f: {  	s12 =	sadd.s32 $0x1, s12;
	[sflag:s16] =	ssyncadd.s32 @!p0 $0xFFFFC000;
	s11 =	smov.u32 s17  }
.LBB1_1:
0x30: {  	p0 =	sge.u32 s12, s6  }
0x31: {  	s14 =	smulhi.u32 @!p0 $0xAAAAAAAB, s10;
	_ =	sdelay $0x1  }
0x32: {  	s14 =	sshrl.u32 @!p0 s14, $0x9  }
0x33: {  	s14 =	smul.u32 @!p0 $0x300, s14  }
0x34: {  	s16 =	sxor.u32 @!p0 $0xFFFFFFFF, s12  }
0x35: {  	s17 =	smul.u32 @!p0 $0x60, s11;
	s16 =	sshll.u32 @!p0 s16, $0xE;
	s14 =	ssub.s32 @!p0 s10, s14  }
0x36: {  	s31 =	sadd.s32 $0xFFFFFFFF, s12;
	s16 =	sand.u32 @!p0 $0x4000, s16;
	s18 =	sand.u32 @!p0 $0x7, s14  }
0x37: {  	s17 =	sadd.s32 @!p0 s3, s17;
	s14 =	sshrl.u32 @!p0 s14, $0x3;
	s18 =	sshll.u32 @!p0 s18, $0x12  }
0x38: {  	s14 =	sadd.s32 @!p0 s14, s17;
	s17 =	sor.u32 @!p0 $0x100, s18;
	s18 =	simm.s32 @!p0 $0x300  }
0x39: {  	[tilespmem:s16], [sflag:$0x1] =	stream.strided.gather @!p0 [hbm4b:s14+s17], $0x4000, s18, s17, $0x38;
	[tilespmem:$0x10000] =	vst v63  }
0x3a: {  	p0 =	sge.u32 s31, s6  }
.Ltmp2:
0x3b: {  	_ = 	snop;
	(pc) =	sbr.rel @p0 .LBB1_5-.Ltmp2, $1  }
0x3c: {  	_ =	sdelay $0x3  }
0x3d: {  	_ =	swait.ge [sflag:s5], $0x4000  }
0x3e: {  	s14 =	sand.u32 $0x4000, s9;
	[sflag:s5] =	ssyncset.done $0x0  }
0x3f: {  	s31 =	sshll.u32 s12, $0xE;
	s16 =	sor.u32 $0x80, s14;
	[sflag:s5] =	ssyncadd.s32 $0xFFFFC000  }
0x40: {  	s14 =	sand.u32 $0x4000, s31;
	v1 =	vld [tilespmem:s16+$0x70]  }
0x41: {  	s14 =	sor.u32 $0x8000, s14;
	v2 =	vld [tilespmem:s16+$0xFFFFFF90]  }
0x42: {  	s18 =	simm.s32 $0x0;
	v0 =	vmov s14;
	v3 =	vld [tilespmem:s16+$0xFFFFFFA0]  }
0x43: {  	s17 =	sand.u32 $0x3800, s18;
	s19 =	sand.u32 $0x380, s18;
	v4 =	vld [tilespmem:s16+$0xFFFFFFB0]  }
0x44: {  	s17 =	sor.u32 s19, s17;
	v5 =	vld [tilespmem:s16+$0xFFFFFFC0]  }
0x45: {  	s19 =	sand.u32 $0x3B00, s17;
	v6 =	vld [tilespmem:s16+$0xFFFFFFD0]  }
0x46: {  	s20 =	sand.u32 $0x80, s18;
	v8 =	vld [tilespmem:s16+$0xFFFFFFE0];
	s19 =	sadd.s32 s19, s14  }
0x47: {  	v9 =	vld [tilespmem:s16+$0x0];
	s19 =	sadd.s32 s20, s19;
	[tilespmem:v0+s17+$0x470 ss:$0x1] =	vst.idx.msk $0xffff, v1  }
0x48: {  	v10 =	vld [tilespmem:s16+$0x10];
	[tilespmem:s19+$0x10] =	vst v2  }
0x49: {  	v7 =	vld [tilespmem:s16+$0x30];
	[tilespmem:s19+$0x20] =	vst v3  }
0x4a: {  	v1 =	vld [tilespmem:s16+$0xFFFFFFF0];
	[tilespmem:s19+$0x30] =	vst v4  }
0x4b: {  	v4 =	vld [tilespmem:s16+$0x20];
	[tilespmem:s19+$0x40] =	vst v5  }
0x4c: {  	[tilespmem:s19+$0x50] =	vst v6;
	v3 =	vld [tilespmem:s16+$0x40]  }
0x4d: {  	[tilespmem:s19+$0x60] =	vst v8;
	v2 =	vld [tilespmem:s16+$0x50]  }
0x4e: {  	v5 =	vld [tilespmem:s16+$0xFFFFFF80];
	[tilespmem:s19+$0x400] =	vst v9  }
0x4f: {  	[tilespmem:s19+$0x70] =	vst v1;
	v1 =	vld [tilespmem:s16+$0x60];
	s16 =	sadd.s32 $0x100, s16  }
0x50: {  	s21 =	simm.s32 $0x100;
	s20 =	simm.s32 $0x200;
	[tilespmem:v0+s17+$0x410 ss:$0x1] =	vst.idx.msk $0xffff, v10;
	v6 =	vld [tilespmem:s16+$0x70]  }
.LBB1_3:
0x51: {  	p0 =	sne.s32 s20, $0x3F00;
	v8 =	vld [tilespmem:s16+$0xFFFFFF90];
	[tilespmem:v0+s17+$0x420 ss:$0x1] =	vst.idx.msk $0xffff, v4  }
0x52: {  	s18 =	sadd.s32 $0x80, s18;
	v4 =	vld [tilespmem:s16+$0xFFFFFFA0];
	[tilespmem:v0+s17+$0x430 ss:$0x1] =	vst.idx.msk $0xffff, v7  }
0x53: {  	s21 =	sand.u32 $0x3800, s21;
	s22 =	sand.u32 $0x380, s18;
	s23 =	sand.u32 $0x80, s18;
	v7 =	vld [tilespmem:s16+$0xFFFFFFB0];
	[tilespmem:v0+s17+$0x440 ss:$0x1] =	vst.idx.msk $0xffff, v3  }
0x54: {  	s22 =	sor.u32 s22, s21;
	s21 =	smov.u32 s20;
	v3 =	vld [tilespmem:s16+$0xFFFFFFC0];
	[tilespmem:s19+$0x0] =	vst v5  }
0x55: {  	s19 =	sand.u32 $0x3B00, s22;
	v5 =	vld [tilespmem:s16+$0xFFFFFFD0];
	[tilespmem:v0+s22+$0x470 ss:$0x1] =	vst.idx.msk $0xffff, v6  }
0x56: {  	s19 =	sadd.s32 s19, s14;
	v6 =	vld [tilespmem:s16+$0xFFFFFFE0];
	[tilespmem:v0+s17+$0x450 ss:$0x1] =	vst.idx.msk $0xffff, v2  }
0x57: {  	s19 =	sadd.s32 s23, s19;
	v9 =	vld [tilespmem:s16+$0xFFFFFFF0];
	[tilespmem:v0+s17+$0x460 ss:$0x1] =	vst.idx.msk $0xffff, v1;
	s17 =	smov.u32 s22  }
0x58: {  	[tilespmem:s19+$0x10] =	vst v8;
	v8 =	vld [tilespmem:s16+$0x0]  }
0x59: {  	[tilespmem:s19+$0x20] =	vst v4;
	v10 =	vld [tilespmem:s16+$0x10]  }
0x5a: {  	[tilespmem:s19+$0x30] =	vst v7;
	v4 =	vld [tilespmem:s16+$0x20]  }
0x5b: {  	[tilespmem:s19+$0x40] =	vst v3;
	v7 =	vld [tilespmem:s16+$0x30]  }
.Ltmp3:
0x5c: {  	[tilespmem:s19+$0x50] =	vst v5;
	v3 =	vld [tilespmem:s16+$0x40];
	(pc) =	sbr.rel @p0 .LBB1_3-.Ltmp3, $4  }
0x5d: {  	[tilespmem:s19+$0x60] =	vst v6;
	v2 =	vld [tilespmem:s16+$0x50]  }
0x5e: {  	[tilespmem:s19+$0x70] =	vst v9;
	v1 =	vld [tilespmem:s16+$0x60]  }
0x5f: {  	v5 =	vld [tilespmem:s16+$0xFFFFFF80];
	[tilespmem:s19+$0x400] =	vst v8;
	s16 =	sadd.s32 $0x100, s16  }
0x60: {  	s20 =	sadd.s32 $0x100, s20;
	v6 =	vld [tilespmem:s16+$0x70];
	[tilespmem:v0+s17+$0x410 ss:$0x1] =	vst.idx.msk $0xffff, v10  }
.Ltmp4:
0x61: {  	_ = 	snop;
	(pc) =	sbr.rel .LBB1_4-.Ltmp4, $1  }
0x62: {  	_ =	sdelay $0x3  }
.LBB1_6:
0x63: {  	_ =	sfence.sel $0x180000  }
0x64: {  	s2 =	simm.s32 $0x1;
	[bflag:$0x0] =	sbarrier.arrive $0xFFFF  }
0x65: {  	s31 =	simm.s32 $0x2;
	[sflag:s2] =	ssyncpa.u1 $0x1  }
0x66: {  	[sflag:s31] =	ssyncpa.u1 $0x1  }
0x67: {  	p0 =	sne.s32 s0, $0x0;
	_ =	strace $0x90000047  }
0x68: {  	s0 =	sadd.s32 @!p0 $0x100000, s1;
	[bflag:$0x2] =	sbarrier.arrive $0xFFFF  }
0x69: {  	[sflag:s0] =	ssyncadd.tile.s32 @!p0 $0x1;
	_ =	shalt  }
.Lfunc_end1:
_tile_overlayer_lowered:
.L_overlay_start_2:
0x6a: {  	(tag) =	ssettag $0x2  }
0x6b: {  	s0 =	rddreg [dreg:$0x0];
	s2 =	stileid.u32  }
0x6c: {  	s1 =	rddreg [dreg:$0x1];
	p0 =	sne.s32 s2, $0x0  }
0x6d: {  	s3 =	rddreg [dreg:$0x2];
	[bflag:$0x3] =	sbarrier.arrive $0xFFFF;
	s2 =	simm.s32 @!p0 $0x1C01  }
0x6e: {  	[timem:s3], [sflag:s2] =	dma.local @!p0 [hbm:s0], s1  }
0x6f: {  	s0 =	simm.s32 @!p0 $0x1  }
0x70: {  	_ =	swait.ge @!p0 [sflag:s0], s1  }
0x71: {  	s1 =	ssub.s32 @!p0 $0x0, s1;
	[sflag:s0] =	ssyncset.done @!p0 $0x0  }
0x72: {  	[sflag:s0] =	ssyncadd.s32 @!p0 s1  }
0x73: {  	[bflag:$0x3] =	sbarrier.arrive $0xFFFF  }
0x74: {  	_ =	shalt  }

</sc_bundles>
